<compile_context>
chip_gen: v7x
topology: tpu7x:2x2x1
jax: 0.10.2.dev20260603
libtpu: 0.0.44.dev20260713+nightly
codegen_flags: <defaults>
</compile_context>

<pallas_src>
import functools

import jax
import jax.numpy as jnp
from jax import lax
from jax.experimental import pallas as pl
from jax.experimental.pallas import tpu as pltpu
from jax.experimental.pallas import tpu_sc as plsc

N = 10000
E = 320000
D_IN = 128
DIM = 256
G = 128

NC = 2
NS = 16
DH = D_IN // NC
CHUNK = 128
CHUNKS_PER_S = 160
E_PAD = NS * CHUNKS_PER_S * CHUNK
N_DUMMY = 128
N_PAD = N + N_DUMMY
ROWS_PER_S = 624
TAIL0 = NS * ROWS_PER_S
TAIL = N - TAIL0

BLK = 400
NB = N // BLK
BN_INV = 1.0 / (1.0 + 1e-5) ** 0.5


def _sc_agg_body(x_hbm, ei_hbm, out_hbm,
                 src_v, dst_v, idx4, r0, r1, r2, r3, acc, *gsems):
    c = lax.axis_index("c")
    s = lax.axis_index("s")
    pltpu.sync_copy(ei_hbm.at[0, s], src_v)
    pltpu.sync_copy(ei_hbm.at[1, s], dst_v)
    row0 = s * ROWS_PER_S

    def zrow(i, carry):
        for q in range(DH // 16):
            r0[i, pl.ds(16 * q, 16)] = jnp.zeros((16,), jnp.float32)
        return carry

    lax.fori_loop(0, CHUNK, zrow, 0)
    for t in range(ROWS_PER_S // CHUNK):
        pltpu.sync_copy(r0, acc.at[pl.ds(row0 + t * CHUNK, CHUNK)])
    rem = ROWS_PER_S % CHUNK
    pltpu.sync_copy(r0.at[pl.ds(0, rem)],
                    acc.at[pl.ds(row0 + ROWS_PER_S - rem, rem)])

    @pl.when(s == 0)
    def _():
        pltpu.sync_copy(r0.at[pl.ds(0, TAIL)], acc.at[pl.ds(TAIL0, TAIL)])

    plsc.subcore_barrier()

    rows = [r0, r1, r2, r3]

    def fire(j, k, gsem):
        for q in range(CHUNK // 16):
            idx4[k, pl.ds(16 * q, 16)] = src_v[j, pl.ds(16 * q, 16)] * 2 + c
        pltpu.async_copy(x_hbm.at[idx4.at[k]], rows[k], gsem)

    def wait(k, gsem):
        pltpu.make_async_copy(x_hbm.at[idx4.at[k]], rows[k], gsem).wait()

    for k in range(4):
        fire(k, k, gsems[k])

    def quad(i, carry):
        j0 = 4 * i
        for k in range(4):
            wait(k, gsems[k])
            pltpu.sync_copy(rows[k], acc.at[dst_v.at[j0 + k]], add=True)

            @pl.when(j0 + k + 4 < CHUNKS_PER_S)
            def _():
                fire(j0 + k + 4, k, gsems[k])
        return carry

    lax.fori_loop(0, CHUNKS_PER_S // 4, quad, 0)
    plsc.subcore_barrier()
    pltpu.sync_copy(acc.at[pl.ds(row0, ROWS_PER_S)],
                    out_hbm.at[c, pl.ds(row0, ROWS_PER_S)])

    @pl.when(s == 0)
    def _():
        pltpu.sync_copy(acc.at[pl.ds(TAIL0, TAIL)],
                        out_hbm.at[c, pl.ds(TAIL0, TAIL)])


@functools.lru_cache(maxsize=1)
def _sc_agg():
    mesh = plsc.VectorSubcoreMesh(core_axis_name="c", subcore_axis_name="s")
    return pl.kernel(
        _sc_agg_body,
        out_type=jax.ShapeDtypeStruct((NC, N, DH), jnp.float32),
        mesh=mesh,
        scratch_types=[
            pltpu.VMEM((CHUNKS_PER_S, CHUNK), jnp.int32),
            pltpu.VMEM((CHUNKS_PER_S, CHUNK), jnp.int32),
            pltpu.VMEM((4, CHUNK), jnp.int32),
            pltpu.VMEM((CHUNK, DH), jnp.float32),
            pltpu.VMEM((CHUNK, DH), jnp.float32),
            pltpu.VMEM((CHUNK, DH), jnp.float32),
            pltpu.VMEM((CHUNK, DH), jnp.float32),
            pltpu.VMEM_SHARED((N_PAD, DH), jnp.float32),
            pltpu.SemaphoreType.DMA,
            pltpu.SemaphoreType.DMA,
            pltpu.SemaphoreType.DMA,
            pltpu.SemaphoreType.DMA,
        ],
        compiler_params=pltpu.CompilerParams(use_tc_tiling_on_sc=False),
    )


def _tc_head_body(x_ref, a_ref, b_ref, batch_ref,
                  w1_ref, b1_ref, w2_ref, b2_ref, bng_ref, bnb_ref,
                  fc1w_ref, fc1b_ref, fc2w_ref, fc2b_ref,
                  out_ref, acc_ref):
    i = pl.program_id(0)

    @pl.when(i == 0)
    def _():
        acc_ref[...] = jnp.zeros_like(acc_ref)

    h = x_ref[...] + jnp.concatenate([a_ref[...], b_ref[...]], axis=1)
    h = jnp.maximum(
        jax.lax.dot(h.astype(jnp.bfloat16), w1_ref[...],
                    preferred_element_type=jnp.float32)
        + b1_ref[...], 0.0)
    h = jax.lax.dot(h.astype(jnp.bfloat16), w2_ref[...],
                    preferred_element_type=jnp.float32) \
        + b2_ref[...]
    h = jnp.maximum(h, 0.0)
    h = h * (BN_INV * bng_ref[...]) + bnb_ref[...]

    bvec = batch_ref[0, 0, :]
    onehot = jnp.where(
        bvec[:, None] == jax.lax.broadcasted_iota(jnp.int32, (BLK, G), 1),
        1.0, 0.0)
    acc_ref[...] += jax.lax.dot_general(
        onehot, h, (((0,), (0,)), ((), ())),
        preferred_element_type=jnp.float32)

    @pl.when(i == NB - 1)
    def _():
        g = jnp.maximum(
            jax.lax.dot(acc_ref[...], fc1w_ref[...],
                        preferred_element_type=jnp.float32) + fc1b_ref[...],
            0.0)
        out_ref[...] = jax.lax.dot(
            g, fc2w_ref[...], preferred_element_type=jnp.float32) + fc2b_ref[...]


_tc_head = pl.pallas_call(
    _tc_head_body,
    grid=(NB,),
    in_specs=[
        pl.BlockSpec((BLK, D_IN), lambda i: (i, 0)),
        pl.BlockSpec((BLK, DH), lambda i: (i, 0)),
        pl.BlockSpec((BLK, DH), lambda i: (i, 0)),
        pl.BlockSpec((1, 1, BLK), lambda i: (i, 0, 0)),
        pl.BlockSpec((D_IN, DIM), lambda i: (0, 0)),
        pl.BlockSpec((1, DIM), lambda i: (0, 0)),
        pl.BlockSpec((DIM, DIM), lambda i: (0, 0)),
        pl.BlockSpec((1, DIM), lambda i: (0, 0)),
        pl.BlockSpec((1, DIM), lambda i: (0, 0)),
        pl.BlockSpec((1, DIM), lambda i: (0, 0)),
        pl.BlockSpec((DIM, DIM), lambda i: (0, 0)),
        pl.BlockSpec((1, DIM), lambda i: (0, 0)),
        pl.BlockSpec((DIM, G), lambda i: (0, 0)),
        pl.BlockSpec((1, G), lambda i: (0, 0)),
    ],
    out_specs=pl.BlockSpec((G, G), lambda i: (0, 0)),
    out_shape=jax.ShapeDtypeStruct((G, G), jnp.float32),
    scratch_shapes=[pltpu.VMEM((G, DIM), jnp.float32)],
    compiler_params=pltpu.CompilerParams(
        dimension_semantics=("arbitrary",)),
)


def kernel(x, edge_index, batch, W1, b1, W2, b2, bn_g, bn_b,
           fc1_W, fc1_b, fc2_W, fc2_b):
    pad = E_PAD - E
    padv = jax.lax.iota(jnp.int32, pad)
    padrows = jnp.stack([padv % N, N + padv % N_DUMMY])
    ei_p = jnp.concatenate([edge_index, padrows], axis=1)
    ei_p = ei_p.reshape(2, NS, CHUNKS_PER_S, CHUNK)
    x2 = x.reshape(NC * N, DH)

    hio = _sc_agg()(x2, ei_p)

    batch3 = batch.reshape(NB, 1, BLK)

    fc2p = jnp.pad(fc2_W, ((0, 0), (0, G - 1)))
    fc2bp = jnp.pad(fc2_b, (0, G - 1)).reshape(1, G)

    out = _tc_head(x, hio[0], hio[1], batch3,
                   W1.astype(jnp.bfloat16), b1.reshape(1, DIM),
                   W2.astype(jnp.bfloat16), b2.reshape(1, DIM),
                   bn_g.reshape(1, DIM), bn_b.reshape(1, DIM),
                   fc1_W, fc1_b.reshape(1, DIM), fc2p, fc2bp)
    return out[:, :1]

# --- scband reference (transcript-rebuilt; emitter-appended) ---
"""Pipeline reference for scband-gin-7662221656771 (READ-ONLY COPY).

The authoritative reference and input builder live on the scoring server;
editing this copy changes nothing except your own understanding.
"""

import jax, jax.numpy as jnp
import numpy as np

N = 10000
E = 320000
D_IN = 128
DIM = 256
G = 128

def setup_inputs(seed: int = 0) -> dict:
    key = jax.random.key(seed)
    ks = jax.random.split(key, 16)
    x = jax.random.normal(ks[0], (N, D_IN), dtype=jnp.float32)
    edge_index = jax.random.randint(ks[1], (2, E), 0, N, dtype=jnp.int32)
    batch = jnp.sort(jax.random.randint(ks[2], (N,), 0, G, dtype=jnp.int32))
    # GINConv mlp: Linear(D_IN, DIM), ReLU, Linear(DIM, DIM)
    W1 = jax.random.normal(ks[3], (D_IN, DIM), dtype=jnp.float32) * (1.0 / np.sqrt(D_IN))
    b1 = jnp.zeros((DIM,), dtype=jnp.float32)
    W2 = jax.random.normal(ks[4], (DIM, DIM), dtype=jnp.float32) * (1.0 / np.sqrt(DIM))
    b2 = jnp.zeros((DIM,), dtype=jnp.float32)
    # BatchNorm1d (eval mode: running_mean=0, running_var=1)
    bn_g = jnp.ones((DIM,), dtype=jnp.float32)
    bn_b = jnp.zeros((DIM,), dtype=jnp.float32)
    # fc1: Linear(DIM, DIM); fc2: Linear(DIM, 1)
    fc1_W = jax.random.normal(ks[5], (DIM, DIM), dtype=jnp.float32) * (1.0 / np.sqrt(DIM))
    fc1_b = jnp.zeros((DIM,), dtype=jnp.float32)
    fc2_W = jax.random.normal(ks[6], (DIM, 1), dtype=jnp.float32) * (1.0 / np.sqrt(DIM))
    fc2_b = jnp.zeros((1,), dtype=jnp.float32)
    return {"x": x, "edge_index": edge_index, "batch": batch,
            "W1": W1, "b1": b1, "W2": W2, "b2": b2,
            "bn_g": bn_g, "bn_b": bn_b,
            "fc1_W": fc1_W, "fc1_b": fc1_b, "fc2_W": fc2_W, "fc2_b": fc2_b}

def reference(x, edge_index, batch, W1, b1, W2, b2, bn_g, bn_b, fc1_W, fc1_b, fc2_W, fc2_b):
    src = edge_index[0]
    dst = edge_index[1]
    # GINConv with eps=0: nn((1+eps)*x + sum_{j in N(i)} x_j)
    agg = jax.ops.segment_sum(x[src], dst, num_segments=N)
    h = x + agg
    h = jnp.maximum(h @ W1 + b1, 0.0) @ W2 + b2
    # relu after conv
    h = jnp.maximum(h, 0.0)
    # BatchNorm1d in eval mode: (h - running_mean)/sqrt(running_var + eps) * gamma + beta
    h = (h / jnp.sqrt(1.0 + 1e-5)) * bn_g + bn_b
    # global_add_pool over graph ids
    g = jax.ops.segment_sum(h, batch, num_segments=G)
    g = jnp.maximum(g @ fc1_W + fc1_b, 0.0)
    # dropout p=0.5: identity in eval mode
    out = g @ fc2_W + fc2_b
    return out

if __name__ == "__main__":
    import jax
    _d = setup_inputs()
    print(jax.jit(kernel)(*tuple(_d.values())))

</pallas_src>

<mosaic_0001>
#map = affine_map<(d0, d1) -> (0, 0)>
#map1 = affine_map<(d0, d1) -> (0, 0, 0, 0)>
#map2 = affine_map<(d0, d1) -> (0, 0, 0)>
module attributes {stable_mosaic.version = 14 : i64} {
  func.func @_sc_agg_body(%arg0: i32, %arg1: i32, %arg2: memref<20000x64xf32, #tpu.memory_space<hbm>>, %arg3: memref<2x16x160x128xi32, #tpu.memory_space<hbm>>, %arg4: memref<2x10000x64xf32, #tpu.memory_space<hbm>>, %arg5: memref<160x128xi32, #tpu.memory_space<vmem>>, %arg6: memref<160x128xi32, #tpu.memory_space<vmem>>, %arg7: memref<4x128xi32, #tpu.memory_space<vmem>>, %arg8: memref<128x64xf32, #tpu.memory_space<vmem>>, %arg9: memref<128x64xf32, #tpu.memory_space<vmem>>, %arg10: memref<128x64xf32, #tpu.memory_space<vmem>>, %arg11: memref<128x64xf32, #tpu.memory_space<vmem>>, %arg12: memref<10128x64xf32, #tpu.memory_space<vmem_shared>>, %arg13: memref<!tpu.dma_semaphore, #tpu.memory_space<semaphore_mem>>, %arg14: memref<!tpu.dma_semaphore, #tpu.memory_space<semaphore_mem>>, %arg15: memref<!tpu.dma_semaphore, #tpu.memory_space<semaphore_mem>>, %arg16: memref<!tpu.dma_semaphore, #tpu.memory_space<semaphore_mem>>) attributes {dimension_semantics = [#tpu.dimension_semantics<core_parallel>, #tpu.dimension_semantics<subcore_parallel>], iteration_bounds = array<i64: 2, 16>, scalar_prefetch = 0 : i64, scratch_operands = 12 : i64, tpu.core_type = #tpu.core_type<sc_vector_subcore>, window_params = [{transform_indices = #map}, {transform_indices = #map1}, {transform_indices = #map2}]} {
    %run_scoped3A = arith.constant 0 : i32
    "tpu.region"() ({
      %run_scoped3A_568 = tpu.sem_alloc : memref<!tpu.dma_semaphore, #tpu.memory_space<semaphore_mem>>
      %dma_start3A_569 = arith.constant 0 : i32
      %dma_start3A_570 = arith.constant 0 : i32
      %dma_start3A_571 = tpu.memref_slice %arg3[%run_scoped3A, %arg1, %dma_start3A_569, %dma_start3A_570] : memref<2x16x160x128xi32, #tpu.memory_space<hbm>> -> memref<1x1x160x128xi32, #tpu.memory_space<hbm>>
      %dma_start3A_572 = tpu.memref_squeeze %dma_start3A_571 : memref<1x1x160x128xi32, #tpu.memory_space<hbm>> -> memref<160x128xi32, #tpu.memory_space<hbm>>
      %dma_start3A_573 = arith.constant 0 : i32
      %dma_start3A_574 = arith.constant 0 : i32
      %dma_start3A_575 = tpu.memref_slice %arg3[%run_scoped3A, %arg1, %dma_start3A_573, %dma_start3A_574] : memref<2x16x160x128xi32, #tpu.memory_space<hbm>> -> memref<1x1x160x128xi32, #tpu.memory_space<hbm>>
      %dma_start3A_576 = tpu.memref_squeeze %dma_start3A_575 : memref<1x1x160x128xi32, #tpu.memory_space<hbm>> -> memref<160x128xi32, #tpu.memory_space<hbm>>
      tpu.enqueue_dma source(%dma_start3A_576 : memref<160x128xi32, #tpu.memory_space<hbm>>) target(%arg5 : memref<160x128xi32, #tpu.memory_space<vmem>>) target_semaphore(%run_scoped3A_568 : memref<!tpu.dma_semaphore, #tpu.memory_space<semaphore_mem>>)
      %dma_wait3A = arith.constant 0 : i32
      %dma_wait3A_577 = arith.constant 0 : i32
      %dma_wait3A_578 = tpu.memref_slice %arg3[%run_scoped3A, %arg1, %dma_wait3A, %dma_wait3A_577] : memref<2x16x160x128xi32, #tpu.memory_space<hbm>> -> memref<1x1x160x128xi32, #tpu.memory_space<hbm>>
      %dma_wait3A_579 = tpu.memref_squeeze %dma_wait3A_578 : memref<1x1x160x128xi32, #tpu.memory_space<hbm>> -> memref<160x128xi32, #tpu.memory_space<hbm>>
      %dma_wait3A_580 = arith.constant 0 : i32
      %dma_wait3A_581 = arith.constant 0 : i32
      %dma_wait3A_582 = tpu.memref_slice %arg3[%run_scoped3A, %arg1, %dma_wait3A_580, %dma_wait3A_581] : memref<2x16x160x128xi32, #tpu.memory_space<hbm>> -> memref<1x1x160x128xi32, #tpu.memory_space<hbm>>
      %dma_wait3A_583 = tpu.memref_squeeze %dma_wait3A_582 : memref<1x1x160x128xi32, #tpu.memory_space<hbm>> -> memref<160x128xi32, #tpu.memory_space<hbm>>
      tpu.wait_dma2 semaphore(%run_scoped3A_568 : memref<!tpu.dma_semaphore, #tpu.memory_space<semaphore_mem>>) src(%dma_wait3A_583 : memref<160x128xi32, #tpu.memory_space<hbm>>) dst(%arg5 : memref<160x128xi32, #tpu.memory_space<vmem>>)
      tpu.yield
    }) : () -> ()
    %run_scoped3A_0 = arith.constant 1 : i32
    "tpu.region"() ({
      %run_scoped3A_568 = tpu.sem_alloc : memref<!tpu.dma_semaphore, #tpu.memory_space<semaphore_mem>>
      %dma_start3A_569 = arith.constant 0 : i32
      %dma_start3A_570 = arith.constant 0 : i32
      %dma_start3A_571 = tpu.memref_slice %arg3[%run_scoped3A_0, %arg1, %dma_start3A_569, %dma_start3A_570] : memref<2x16x160x128xi32, #tpu.memory_space<hbm>> -> memref<1x1x160x128xi32, #tpu.memory_space<hbm>>
      %dma_start3A_572 = tpu.memref_squeeze %dma_start3A_571 : memref<1x1x160x128xi32, #tpu.memory_space<hbm>> -> memref<160x128xi32, #tpu.memory_space<hbm>>
      %dma_start3A_573 = arith.constant 0 : i32
      %dma_start3A_574 = arith.constant 0 : i32
      %dma_start3A_575 = tpu.memref_slice %arg3[%run_scoped3A_0, %arg1, %dma_start3A_573, %dma_start3A_574] : memref<2x16x160x128xi32, #tpu.memory_space<hbm>> -> memref<1x1x160x128xi32, #tpu.memory_space<hbm>>
      %dma_start3A_576 = tpu.memref_squeeze %dma_start3A_575 : memref<1x1x160x128xi32, #tpu.memory_space<hbm>> -> memref<160x128xi32, #tpu.memory_space<hbm>>
      tpu.enqueue_dma source(%dma_start3A_576 : memref<160x128xi32, #tpu.memory_space<hbm>>) target(%arg6 : memref<160x128xi32, #tpu.memory_space<vmem>>) target_semaphore(%run_scoped3A_568 : memref<!tpu.dma_semaphore, #tpu.memory_space<semaphore_mem>>)
      %dma_wait3A = arith.constant 0 : i32
      %dma_wait3A_577 = arith.constant 0 : i32
      %dma_wait3A_578 = tpu.memref_slice %arg3[%run_scoped3A_0, %arg1, %dma_wait3A, %dma_wait3A_577] : memref<2x16x160x128xi32, #tpu.memory_space<hbm>> -> memref<1x1x160x128xi32, #tpu.memory_space<hbm>>
      %dma_wait3A_579 = tpu.memref_squeeze %dma_wait3A_578 : memref<1x1x160x128xi32, #tpu.memory_space<hbm>> -> memref<160x128xi32, #tpu.memory_space<hbm>>
      %dma_wait3A_580 = arith.constant 0 : i32
      %dma_wait3A_581 = arith.constant 0 : i32
      %dma_wait3A_582 = tpu.memref_slice %arg3[%run_scoped3A_0, %arg1, %dma_wait3A_580, %dma_wait3A_581] : memref<2x16x160x128xi32, #tpu.memory_space<hbm>> -> memref<1x1x160x128xi32, #tpu.memory_space<hbm>>
      %dma_wait3A_583 = tpu.memref_squeeze %dma_wait3A_582 : memref<1x1x160x128xi32, #tpu.memory_space<hbm>> -> memref<160x128xi32, #tpu.memory_space<hbm>>
      tpu.wait_dma2 semaphore(%run_scoped3A_568 : memref<!tpu.dma_semaphore, #tpu.memory_space<semaphore_mem>>) src(%dma_wait3A_583 : memref<160x128xi32, #tpu.memory_space<hbm>>) dst(%arg6 : memref<160x128xi32, #tpu.memory_space<vmem>>)
      tpu.yield
    }) : () -> ()
    %mul3A = arith.constant 624 : i32
    %mul3A_1 = arith.muli %arg1, %mul3A : i32
    %scan3A = arith.constant 0 : i32
    %scan3A_2 = arith.constant 0 : i32
    %scan3A_3 = arith.constant 128 : i32
    %scan3A_4 = arith.addi %scan3A_2, %scan3A_3 : i32
    %scan3A_5 = arith.constant 1 : i32
    scf.for %scan3A_568 = %scan3A_2 to %scan3A_4 step %scan3A_5  : i32 {
      %broadcast_in_dim3A = arith.constant 0.000000e+00 : f32
      %broadcast_in_dim3A_569 = vector.broadcast %broadcast_in_dim3A : f32 to vector<16xf32>
      %swap3A_570 = arith.index_cast %scan3A_568 : i32 to index
      %swap3A_571 = arith.constant 0 : index
      %swap3A_572 = tpu.vector_load %arg8[%swap3A_570, %swap3A_571] {strides = array<i32>} : memref<128x64xf32, #tpu.memory_space<vmem>>, vector<1x16xf32>,
      %swap3A_573 = vector.shape_cast %swap3A_572 : vector<1x16xf32> to vector<16xf32>
      %swap3A_574 = vector.shape_cast %broadcast_in_dim3A_569 : vector<16xf32> to vector<1x16xf32>
      tpu.vector_store %arg8[%swap3A_570, %swap3A_571], %swap3A_574 {strides = array<i32>} : memref<128x64xf32, #tpu.memory_space<vmem>>, vector<1x16xf32>,
      %broadcast_in_dim3A_575 = arith.constant 0.000000e+00 : f32
      %broadcast_in_dim3A_576 = vector.broadcast %broadcast_in_dim3A_575 : f32 to vector<16xf32>
      %swap3A_577 = arith.index_cast %scan3A_568 : i32 to index
      %swap3A_578 = arith.constant 16 : index
      %swap3A_579 = tpu.vector_load %arg8[%swap3A_577, %swap3A_578] {strides = array<i32>} : memref<128x64xf32, #tpu.memory_space<vmem>>, vector<1x16xf32>,
      %swap3A_580 = vector.shape_cast %swap3A_579 : vector<1x16xf32> to vector<16xf32>
      %swap3A_581 = vector.shape_cast %broadcast_in_dim3A_576 : vector<16xf32> to vector<1x16xf32>
      tpu.vector_store %arg8[%swap3A_577, %swap3A_578], %swap3A_581 {strides = array<i32>} : memref<128x64xf32, #tpu.memory_space<vmem>>, vector<1x16xf32>,
      %broadcast_in_dim3A_582 = arith.constant 0.000000e+00 : f32
      %broadcast_in_dim3A_583 = vector.broadcast %broadcast_in_dim3A_582 : f32 to vector<16xf32>
      %swap3A_584 = arith.index_cast %scan3A_568 : i32 to index
      %swap3A_585 = arith.constant 32 : index
      %swap3A_586 = tpu.vector_load %arg8[%swap3A_584, %swap3A_585] {strides = array<i32>} : memref<128x64xf32, #tpu.memory_space<vmem>>, vector<1x16xf32>,
      %swap3A_587 = vector.shape_cast %swap3A_586 : vector<1x16xf32> to vector<16xf32>
      %swap3A_588 = vector.shape_cast %broadcast_in_dim3A_583 : vector<16xf32> to vector<1x16xf32>
      tpu.vector_store %arg8[%swap3A_584, %swap3A_585], %swap3A_588 {strides = array<i32>} : memref<128x64xf32, #tpu.memory_space<vmem>>, vector<1x16xf32>,
      %broadcast_in_dim3A_589 = arith.constant 0.000000e+00 : f32
      %broadcast_in_dim3A_590 = vector.broadcast %broadcast_in_dim3A_589 : f32 to vector<16xf32>
      %swap3A_591 = arith.index_cast %scan3A_568 : i32 to index
      %swap3A_592 = arith.constant 48 : index
      %swap3A_593 = tpu.vector_load %arg8[%swap3A_591, %swap3A_592] {strides = array<i32>} : memref<128x64xf32, #tpu.memory_space<vmem>>, vector<1x16xf32>,
      %swap3A_594 = vector.shape_cast %swap3A_593 : vector<1x16xf32> to vector<16xf32>
      %swap3A_595 = vector.shape_cast %broadcast_in_dim3A_590 : vector<16xf32> to vector<1x16xf32>
      tpu.vector_store %arg8[%swap3A_591, %swap3A_592], %swap3A_595 {strides = array<i32>} : memref<128x64xf32, #tpu.memory_space<vmem>>, vector<1x16xf32>,
    }
    %scan3A_6 = arith.constant 128 : i32
    %add3A = arith.constant 0 : i32
    %add3A_7 = arith.addi %mul3A_1, %add3A : i32
    "tpu.region"() ({
      %run_scoped3A_568 = tpu.sem_alloc : memref<!tpu.dma_semaphore, #tpu.memory_space<semaphore_mem>>
      %dma_start3A_569 = arith.constant 0 : i32
      %dma_start3A_570 = tpu.memref_slice %arg12[%add3A_7, %dma_start3A_569] : memref<10128x64xf32, #tpu.memory_space<vmem_shared>> -> memref<128x64xf32, #tpu.memory_space<vmem_shared>>
      %dma_start3A_571 = arith.constant 0 : i32
      %dma_start3A_572 = tpu.memref_slice %arg12[%add3A_7, %dma_start3A_571] : memref<10128x64xf32, #tpu.memory_space<vmem_shared>> -> memref<128x64xf32, #tpu.memory_space<vmem_shared>>
      tpu.enqueue_dma source(%arg8 : memref<128x64xf32, #tpu.memory_space<vmem>>) target(%dma_start3A_572 : memref<128x64xf32, #tpu.memory_space<vmem_shared>>) target_semaphore(%run_scoped3A_568 : memref<!tpu.dma_semaphore, #tpu.memory_space<semaphore_mem>>)
      %dma_wait3A = arith.constant 0 : i32
      %dma_wait3A_573 = tpu.memref_slice %arg12[%add3A_7, %dma_wait3A] : memref<10128x64xf32, #tpu.memory_space<vmem_shared>> -> memref<128x64xf32, #tpu.memory_space<vmem_shared>>
      %dma_wait3A_574 = arith.constant 0 : i32
      %dma_wait3A_575 = tpu.memref_slice %arg12[%add3A_7, %dma_wait3A_574] : memref<10128x64xf32, #tpu.memory_space<vmem_shared>> -> memref<128x64xf32, #tpu.memory_space<vmem_shared>>
      tpu.wait_dma2 semaphore(%run_scoped3A_568 : memref<!tpu.dma_semaphore, #tpu.memory_space<semaphore_mem>>) src(%arg8 : memref<128x64xf32, #tpu.memory_space<vmem>>) dst(%dma_wait3A_575 : memref<128x64xf32, #tpu.memory_space<vmem_shared>>)
      tpu.yield
    }) : () -> ()
    %add3A_8 = arith.constant 128 : i32
    %add3A_9 = arith.addi %mul3A_1, %add3A_8 : i32
    "tpu.region"() ({
      %run_scoped3A_568 = tpu.sem_alloc : memref<!tpu.dma_semaphore, #tpu.memory_space<semaphore_mem>>
      %dma_start3A_569 = arith.constant 0 : i32
      %dma_start3A_570 = tpu.memref_slice %arg12[%add3A_9, %dma_start3A_569] : memref<10128x64xf32, #tpu.memory_space<vmem_shared>> -> memref<128x64xf32, #tpu.memory_space<vmem_shared>>
      %dma_start3A_571 = arith.constant 0 : i32
      %dma_start3A_572 = tpu.memref_slice %arg12[%add3A_9, %dma_start3A_571] : memref<10128x64xf32, #tpu.memory_space<vmem_shared>> -> memref<128x64xf32, #tpu.memory_space<vmem_shared>>
      tpu.enqueue_dma source(%arg8 : memref<128x64xf32, #tpu.memory_space<vmem>>) target(%dma_start3A_572 : memref<128x64xf32, #tpu.memory_space<vmem_shared>>) target_semaphore(%run_scoped3A_568 : memref<!tpu.dma_semaphore, #tpu.memory_space<semaphore_mem>>)
      %dma_wait3A = arith.constant 0 : i32
      %dma_wait3A_573 = tpu.memref_slice %arg12[%add3A_9, %dma_wait3A] : memref<10128x64xf32, #tpu.memory_space<vmem_shared>> -> memref<128x64xf32, #tpu.memory_space<vmem_shared>>
      %dma_wait3A_574 = arith.constant 0 : i32
      %dma_wait3A_575 = tpu.memref_slice %arg12[%add3A_9, %dma_wait3A_574] : memref<10128x64xf32, #tpu.memory_space<vmem_shared>> -> memref<128x64xf32, #tpu.memory_space<vmem_shared>>
      tpu.wait_dma2 semaphore(%run_scoped3A_568 : memref<!tpu.dma_semaphore, #tpu.memory_space<semaphore_mem>>) src(%arg8 : memref<128x64xf32, #tpu.memory_space<vmem>>) dst(%dma_wait3A_575 : memref<128x64xf32, #tpu.memory_space<vmem_shared>>)
      tpu.yield
    }) : () -> ()
    %add3A_10 = arith.constant 256 : i32
    %add3A_11 = arith.addi %mul3A_1, %add3A_10 : i32
    "tpu.region"() ({
      %run_scoped3A_568 = tpu.sem_alloc : memref<!tpu.dma_semaphore, #tpu.memory_space<semaphore_mem>>
      %dma_start3A_569 = arith.constant 0 : i32
      %dma_start3A_570 = tpu.memref_slice %arg12[%add3A_11, %dma_start3A_569] : memref<10128x64xf32, #tpu.memory_space<vmem_shared>> -> memref<128x64xf32, #tpu.memory_space<vmem_shared>>
      %dma_start3A_571 = arith.constant 0 : i32
      %dma_start3A_572 = tpu.memref_slice %arg12[%add3A_11, %dma_start3A_571] : memref<10128x64xf32, #tpu.memory_space<vmem_shared>> -> memref<128x64xf32, #tpu.memory_space<vmem_shared>>
      tpu.enqueue_dma source(%arg8 : memref<128x64xf32, #tpu.memory_space<vmem>>) target(%dma_start3A_572 : memref<128x64xf32, #tpu.memory_space<vmem_shared>>) target_semaphore(%run_scoped3A_568 : memref<!tpu.dma_semaphore, #tpu.memory_space<semaphore_mem>>)
      %dma_wait3A = arith.constant 0 : i32
      %dma_wait3A_573 = tpu.memref_slice %arg12[%add3A_11, %dma_wait3A] : memref<10128x64xf32, #tpu.memory_space<vmem_shared>> -> memref<128x64xf32, #tpu.memory_space<vmem_shared>>
      %dma_wait3A_574 = arith.constant 0 : i32
      %dma_wait3A_575 = tpu.memref_slice %arg12[%add3A_11, %dma_wait3A_574] : memref<10128x64xf32, #tpu.memory_space<vmem_shared>> -> memref<128x64xf32, #tpu.memory_space<vmem_shared>>
      tpu.wait_dma2 semaphore(%run_scoped3A_568 : memref<!tpu.dma_semaphore, #tpu.memory_space<semaphore_mem>>) src(%arg8 : memref<128x64xf32, #tpu.memory_space<vmem>>) dst(%dma_wait3A_575 : memref<128x64xf32, #tpu.memory_space<vmem_shared>>)
      tpu.yield
    }) : () -> ()
    %add3A_12 = arith.constant 384 : i32
    %add3A_13 = arith.addi %mul3A_1, %add3A_12 : i32
    "tpu.region"() ({
      %run_scoped3A_568 = tpu.sem_alloc : memref<!tpu.dma_semaphore, #tpu.memory_space<semaphore_mem>>
      %dma_start3A_569 = arith.constant 0 : i32
      %dma_start3A_570 = tpu.memref_slice %arg12[%add3A_13, %dma_start3A_569] : memref<10128x64xf32, #tpu.memory_space<vmem_shared>> -> memref<128x64xf32, #tpu.memory_space<vmem_shared>>
      %dma_start3A_571 = arith.constant 0 : i32
      %dma_start3A_572 = tpu.memref_slice %arg12[%add3A_13, %dma_start3A_571] : memref<10128x64xf32, #tpu.memory_space<vmem_shared>> -> memref<128x64xf32, #tpu.memory_space<vmem_shared>>
      tpu.enqueue_dma source(%arg8 : memref<128x64xf32, #tpu.memory_space<vmem>>) target(%dma_start3A_572 : memref<128x64xf32, #tpu.memory_space<vmem_shared>>) target_semaphore(%run_scoped3A_568 : memref<!tpu.dma_semaphore, #tpu.memory_space<semaphore_mem>>)
      %dma_wait3A = arith.constant 0 : i32
      %dma_wait3A_573 = tpu.memref_slice %arg12[%add3A_13, %dma_wait3A] : memref<10128x64xf32, #tpu.memory_space<vmem_shared>> -> memref<128x64xf32, #tpu.memory_space<vmem_shared>>
      %dma_wait3A_574 = arith.constant 0 : i32
      %dma_wait3A_575 = tpu.memref_slice %arg12[%add3A_13, %dma_wait3A_574] : memref<10128x64xf32, #tpu.memory_space<vmem_shared>> -> memref<128x64xf32, #tpu.memory_space<vmem_shared>>
      tpu.wait_dma2 semaphore(%run_scoped3A_568 : memref<!tpu.dma_semaphore, #tpu.memory_space<semaphore_mem>>) src(%arg8 : memref<128x64xf32, #tpu.memory_space<vmem>>) dst(%dma_wait3A_575 : memref<128x64xf32, #tpu.memory_space<vmem_shared>>)
      tpu.yield
    }) : () -> ()
    %add3A_14 = arith.constant 624 : i32
    %add3A_15 = arith.addi %mul3A_1, %add3A_14 : i32
    %sub3A = arith.constant 112 : i32
    %sub3A_16 = arith.subi %add3A_15, %sub3A : i32
    "tpu.region"() ({
      %run_scoped3A_568 = tpu.sem_alloc : memref<!tpu.dma_semaphore, #tpu.memory_space<semaphore_mem>>
      %dma_start3A_569 = arith.constant 0 : i32
      %dma_start3A_570 = arith.constant 0 : i32
      %dma_start3A_571 = tpu.memref_slice %arg8[%dma_start3A_569, %dma_start3A_570] : memref<128x64xf32, #tpu.memory_space<vmem>> -> memref<112x64xf32, #tpu.memory_space<vmem>>
      %dma_start3A_572 = arith.constant 0 : i32
      %dma_start3A_573 = tpu.memref_slice %arg12[%sub3A_16, %dma_start3A_572] : memref<10128x64xf32, #tpu.memory_space<vmem_shared>> -> memref<112x64xf32, #tpu.memory_space<vmem_shared>>
      %dma_start3A_574 = arith.constant 0 : i32
      %dma_start3A_575 = tpu.memref_slice %arg12[%sub3A_16, %dma_start3A_574] : memref<10128x64xf32, #tpu.memory_space<vmem_shared>> -> memref<112x64xf32, #tpu.memory_space<vmem_shared>>
      %dma_start3A_576 = arith.constant 0 : i32
      %dma_start3A_577 = arith.constant 0 : i32
      %dma_start3A_578 = tpu.memref_slice %arg8[%dma_start3A_576, %dma_start3A_577] : memref<128x64xf32, #tpu.memory_space<vmem>> -> memref<112x64xf32, #tpu.memory_space<vmem>>
      tpu.enqueue_dma source(%dma_start3A_578 : memref<112x64xf32, #tpu.memory_space<vmem>>) target(%dma_start3A_575 : memref<112x64xf32, #tpu.memory_space<vmem_shared>>) target_semaphore(%run_scoped3A_568 : memref<!tpu.dma_semaphore, #tpu.memory_space<semaphore_mem>>)
      %dma_wait3A = arith.constant 0 : i32
      %dma_wait3A_579 = arith.constant 0 : i32
      %dma_wait3A_580 = tpu.memref_slice %arg8[%dma_wait3A, %dma_wait3A_579] : memref<128x64xf32, #tpu.memory_space<vmem>> -> memref<112x64xf32, #tpu.memory_space<vmem>>
      %dma_wait3A_581 = arith.constant 0 : i32
      %dma_wait3A_582 = tpu.memref_slice %arg12[%sub3A_16, %dma_wait3A_581] : memref<10128x64xf32, #tpu.memory_space<vmem_shared>> -> memref<112x64xf32, #tpu.memory_space<vmem_shared>>
      %dma_wait3A_583 = arith.constant 0 : i32
      %dma_wait3A_584 = tpu.memref_slice %arg12[%sub3A_16, %dma_wait3A_583] : memref<10128x64xf32, #tpu.memory_space<vmem_shared>> -> memref<112x64xf32, #tpu.memory_space<vmem_shared>>
      %dma_wait3A_585 = arith.constant 0 : i32
      %dma_wait3A_586 = arith.constant 0 : i32
      %dma_wait3A_587 = tpu.memref_slice %arg8[%dma_wait3A_585, %dma_wait3A_586] : memref<128x64xf32, #tpu.memory_space<vmem>> -> memref<112x64xf32, #tpu.memory_space<vmem>>
      tpu.wait_dma2 semaphore(%run_scoped3A_568 : memref<!tpu.dma_semaphore, #tpu.memory_space<semaphore_mem>>) src(%dma_wait3A_587 : memref<112x64xf32, #tpu.memory_space<vmem>>) dst(%dma_wait3A_584 : memref<112x64xf32, #tpu.memory_space<vmem_shared>>)
      tpu.yield
    }) : () -> ()
    %eq3A = arith.constant 0 : i32
    %eq3A_17 = arith.cmpi eq, %arg1, %eq3A : i32
    %convert_element_type3A = arith.extui %eq3A_17 : i1 to i32
    %cond3A = arith.constant 0 : i32
    %cond3A_18 = arith.cmpi ne, %convert_element_type3A, %cond3A : i32
    scf.if %cond3A_18 {
      "tpu.region"() ({
        %run_scoped3A_568 = tpu.sem_alloc : memref<!tpu.dma_semaphore, #tpu.memory_space<semaphore_mem>>
        %dma_start3A_569 = arith.constant 0 : i32
        %dma_start3A_570 = arith.constant 0 : i32
        %dma_start3A_571 = tpu.memref_slice %arg8[%dma_start3A_569, %dma_start3A_570] : memref<128x64xf32, #tpu.memory_space<vmem>> -> memref<16x64xf32, #tpu.memory_space<vmem>>
        %dma_start3A_572 = arith.constant 9984 : i32
        %dma_start3A_573 = arith.constant 0 : i32
        %dma_start3A_574 = tpu.memref_slice %arg12[%dma_start3A_572, %dma_start3A_573] : memref<10128x64xf32, #tpu.memory_space<vmem_shared>> -> memref<16x64xf32, #tpu.memory_space<vmem_shared>>
        %dma_start3A_575 = arith.constant 9984 : i32
        %dma_start3A_576 = arith.constant 0 : i32
        %dma_start3A_577 = tpu.memref_slice %arg12[%dma_start3A_575, %dma_start3A_576] : memref<10128x64xf32, #tpu.memory_space<vmem_shared>> -> memref<16x64xf32, #tpu.memory_space<vmem_shared>>
        %dma_start3A_578 = arith.constant 0 : i32
        %dma_start3A_579 = arith.constant 0 : i32
        %dma_start3A_580 = tpu.memref_slice %arg8[%dma_start3A_578, %dma_start3A_579] : memref<128x64xf32, #tpu.memory_space<vmem>> -> memref<16x64xf32, #tpu.memory_space<vmem>>
        tpu.enqueue_dma source(%dma_start3A_580 : memref<16x64xf32, #tpu.memory_space<vmem>>) target(%dma_start3A_577 : memref<16x64xf32, #tpu.memory_space<vmem_shared>>) target_semaphore(%run_scoped3A_568 : memref<!tpu.dma_semaphore, #tpu.memory_space<semaphore_mem>>)
        %dma_wait3A = arith.constant 0 : i32
        %dma_wait3A_581 = arith.constant 0 : i32
        %dma_wait3A_582 = tpu.memref_slice %arg8[%dma_wait3A, %dma_wait3A_581] : memref<128x64xf32, #tpu.memory_space<vmem>> -> memref<16x64xf32, #tpu.memory_space<vmem>>
        %dma_wait3A_583 = arith.constant 9984 : i32
        %dma_wait3A_584 = arith.constant 0 : i32
        %dma_wait3A_585 = tpu.memref_slice %arg12[%dma_wait3A_583, %dma_wait3A_584] : memref<10128x64xf32, #tpu.memory_space<vmem_shared>> -> memref<16x64xf32, #tpu.memory_space<vmem_shared>>
        %dma_wait3A_586 = arith.constant 9984 : i32
        %dma_wait3A_587 = arith.constant 0 : i32
        %dma_wait3A_588 = tpu.memref_slice %arg12[%dma_wait3A_586, %dma_wait3A_587] : memref<10128x64xf32, #tpu.memory_space<vmem_shared>> -> memref<16x64xf32, #tpu.memory_space<vmem_shared>>
        %dma_wait3A_589 = arith.constant 0 : i32
        %dma_wait3A_590 = arith.constant 0 : i32
        %dma_wait3A_591 = tpu.memref_slice %arg8[%dma_wait3A_589, %dma_wait3A_590] : memref<128x64xf32, #tpu.memory_space<vmem>> -> memref<16x64xf32, #tpu.memory_space<vmem>>
        tpu.wait_dma2 semaphore(%run_scoped3A_568 : memref<!tpu.dma_semaphore, #tpu.memory_space<semaphore_mem>>) src(%dma_wait3A_591 : memref<16x64xf32, #tpu.memory_space<vmem>>) dst(%dma_wait3A_588 : memref<16x64xf32, #tpu.memory_space<vmem_shared>>)
        tpu.yield
      }) : () -> ()
    } else {
    }
    %barrier3A = arith.constant 0 : index
    tpu.barrier barrier_id(%barrier3A)
    %get3A = arith.constant 0 : i32
    %get3A_19 = arith.index_cast %get3A : i32 to index
    %get3A_20 = arith.constant 0 : index
    %get3A_21 = tpu.vector_load %arg5[%get3A_19, %get3A_20] {strides = array<i32>} : memref<160x128xi32, #tpu.memory_space<vmem>>, vector<1x16xi32>,
    %get3A_22 = vector.shape_cast %get3A_21 : vector<1x16xi32> to vector<16xi32>
    %mul3A_23 = arith.constant 2 : i32
    %mul3A_24 = vector.broadcast %mul3A_23 : i32 to vector<16xi32>
    %mul3A_25 = arith.muli %get3A_22, %mul3A_24 : vector<16xi32>
    %add3A_26 = vector.broadcast %arg0 : i32 to vector<16xi32>
    %add3A_27 = arith.addi %mul3A_25, %add3A_26 : vector<16xi32>
    %swap3A = arith.constant 0 : i32
    %swap3A_28 = arith.index_cast %swap3A : i32 to index
    %swap3A_29 = arith.constant 0 : index
    %swap3A_30 = tpu.vector_load %arg7[%swap3A_28, %swap3A_29] {strides = array<i32>} : memref<4x128xi32, #tpu.memory_space<vmem>>, vector<1x16xi32>,
    %swap3A_31 = vector.shape_cast %swap3A_30 : vector<1x16xi32> to vector<16xi32>
    %swap3A_32 = vector.shape_cast %add3A_27 : vector<16xi32> to vector<1x16xi32>
    tpu.vector_store %arg7[%swap3A_28, %swap3A_29], %swap3A_32 {strides = array<i32>} : memref<4x128xi32, #tpu.memory_space<vmem>>, vector<1x16xi32>,
    %get3A_33 = arith.constant 0 : i32
    %get3A_34 = arith.index_cast %get3A_33 : i32 to index
    %get3A_35 = arith.constant 16 : index
    %get3A_36 = tpu.vector_load %arg5[%get3A_34, %get3A_35] {strides = array<i32>} : memref<160x128xi32, #tpu.memory_space<vmem>>, vector<1x16xi32>,
    %get3A_37 = vector.shape_cast %get3A_36 : vector<1x16xi32> to vector<16xi32>
    %mul3A_38 = arith.constant 2 : i32
    %mul3A_39 = vector.broadcast %mul3A_38 : i32 to vector<16xi32>
    %mul3A_40 = arith.muli %get3A_37, %mul3A_39 : vector<16xi32>
    %add3A_41 = vector.broadcast %arg0 : i32 to vector<16xi32>
    %add3A_42 = arith.addi %mul3A_40, %add3A_41 : vector<16xi32>
    %swap3A_43 = arith.constant 0 : i32
    %swap3A_44 = arith.index_cast %swap3A_43 : i32 to index
    %swap3A_45 = arith.constant 16 : index
    %swap3A_46 = tpu.vector_load %arg7[%swap3A_44, %swap3A_45] {strides = array<i32>} : memref<4x128xi32, #tpu.memory_space<vmem>>, vector<1x16xi32>,
    %swap3A_47 = vector.shape_cast %swap3A_46 : vector<1x16xi32> to vector<16xi32>
    %swap3A_48 = vector.shape_cast %add3A_42 : vector<16xi32> to vector<1x16xi32>
    tpu.vector_store %arg7[%swap3A_44, %swap3A_45], %swap3A_48 {strides = array<i32>} : memref<4x128xi32, #tpu.memory_space<vmem>>, vector<1x16xi32>,
    %get3A_49 = arith.constant 0 : i32
    %get3A_50 = arith.index_cast %get3A_49 : i32 to index
    %get3A_51 = arith.constant 32 : index
    %get3A_52 = tpu.vector_load %arg5[%get3A_50, %get3A_51] {strides = array<i32>} : memref<160x128xi32, #tpu.memory_space<vmem>>, vector<1x16xi32>,
    %get3A_53 = vector.shape_cast %get3A_52 : vector<1x16xi32> to vector<16xi32>
    %mul3A_54 = arith.constant 2 : i32
    %mul3A_55 = vector.broadcast %mul3A_54 : i32 to vector<16xi32>
    %mul3A_56 = arith.muli %get3A_53, %mul3A_55 : vector<16xi32>
    %add3A_57 = vector.broadcast %arg0 : i32 to vector<16xi32>
    %add3A_58 = arith.addi %mul3A_56, %add3A_57 : vector<16xi32>
    %swap3A_59 = arith.constant 0 : i32
    %swap3A_60 = arith.index_cast %swap3A_59 : i32 to index
    %swap3A_61 = arith.constant 32 : index
    %swap3A_62 = tpu.vector_load %arg7[%swap3A_60, %swap3A_61] {strides = array<i32>} : memref<4x128xi32, #tpu.memory_space<vmem>>, vector<1x16xi32>,
    %swap3A_63 = vector.shape_cast %swap3A_62 : vector<1x16xi32> to vector<16xi32>
    %swap3A_64 = vector.shape_cast %add3A_58 : vector<16xi32> to vector<1x16xi32>
    tpu.vector_store %arg7[%swap3A_60, %swap3A_61], %swap3A_64 {strides = array<i32>} : memref<4x128xi32, #tpu.memory_space<vmem>>, vector<1x16xi32>,
    %get3A_65 = arith.constant 0 : i32
    %get3A_66 = arith.index_cast %get3A_65 : i32 to index
    %get3A_67 = arith.constant 48 : index
    %get3A_68 = tpu.vector_load %arg5[%get3A_66, %get3A_67] {strides = array<i32>} : memref<160x128xi32, #tpu.memory_space<vmem>>, vector<1x16xi32>,
    %get3A_69 = vector.shape_cast %get3A_68 : vector<1x16xi32> to vector<16xi32>
    %mul3A_70 = arith.constant 2 : i32
    %mul3A_71 = vector.broadcast %mul3A_70 : i32 to vector<16xi32>
    %mul3A_72 = arith.muli %get3A_69, %mul3A_71 : vector<16xi32>
    %add3A_73 = vector.broadcast %arg0 : i32 to vector<16xi32>
    %add3A_74 = arith.addi %mul3A_72, %add3A_73 : vector<16xi32>
    %swap3A_75 = arith.constant 0 : i32
    %swap3A_76 = arith.index_cast %swap3A_75 : i32 to index
    %swap3A_77 = arith.constant 48 : index
    %swap3A_78 = tpu.vector_load %arg7[%swap3A_76, %swap3A_77] {strides = array<i32>} : memref<4x128xi32, #tpu.memory_space<vmem>>, vector<1x16xi32>,
    %swap3A_79 = vector.shape_cast %swap3A_78 : vector<1x16xi32> to vector<16xi32>
    %swap3A_80 = vector.shape_cast %add3A_74 : vector<16xi32> to vector<1x16xi32>
    tpu.vector_store %arg7[%swap3A_76, %swap3A_77], %swap3A_80 {strides = array<i32>} : memref<4x128xi32, #tpu.memory_space<vmem>>, vector<1x16xi32>,
    %get3A_81 = arith.constant 0 : i32
    %get3A_82 = arith.index_cast %get3A_81 : i32 to index
    %get3A_83 = arith.constant 64 : index
    %get3A_84 = tpu.vector_load %arg5[%get3A_82, %get3A_83] {strides = array<i32>} : memref<160x128xi32, #tpu.memory_space<vmem>>, vector<1x16xi32>,
    %get3A_85 = vector.shape_cast %get3A_84 : vector<1x16xi32> to vector<16xi32>
    %mul3A_86 = arith.constant 2 : i32
    %mul3A_87 = vector.broadcast %mul3A_86 : i32 to vector<16xi32>
    %mul3A_88 = arith.muli %get3A_85, %mul3A_87 : vector<16xi32>
    %add3A_89 = vector.broadcast %arg0 : i32 to vector<16xi32>
    %add3A_90 = arith.addi %mul3A_88, %add3A_89 : vector<16xi32>
    %swap3A_91 = arith.constant 0 : i32
    %swap3A_92 = arith.index_cast %swap3A_91 : i32 to index
    %swap3A_93 = arith.constant 64 : index
    %swap3A_94 = tpu.vector_load %arg7[%swap3A_92, %swap3A_93] {strides = array<i32>} : memref<4x128xi32, #tpu.memory_space<vmem>>, vector<1x16xi32>,
    %swap3A_95 = vector.shape_cast %swap3A_94 : vector<1x16xi32> to vector<16xi32>
    %swap3A_96 = vector.shape_cast %add3A_90 : vector<16xi32> to vector<1x16xi32>
    tpu.vector_store %arg7[%swap3A_92, %swap3A_93], %swap3A_96 {strides = array<i32>} : memref<4x128xi32, #tpu.memory_space<vmem>>, vector<1x16xi32>,
    %get3A_97 = arith.constant 0 : i32
    %get3A_98 = arith.index_cast %get3A_97 : i32 to index
    %get3A_99 = arith.constant 80 : index
    %get3A_100 = tpu.vector_load %arg5[%get3A_98, %get3A_99] {strides = array<i32>} : memref<160x128xi32, #tpu.memory_space<vmem>>, vector<1x16xi32>,
    %get3A_101 = vector.shape_cast %get3A_100 : vector<1x16xi32> to vector<16xi32>
    %mul3A_102 = arith.constant 2 : i32
    %mul3A_103 = vector.broadcast %mul3A_102 : i32 to vector<16xi32>
    %mul3A_104 = arith.muli %get3A_101, %mul3A_103 : vector<16xi32>
    %add3A_105 = vector.broadcast %arg0 : i32 to vector<16xi32>
    %add3A_106 = arith.addi %mul3A_104, %add3A_105 : vector<16xi32>
    %swap3A_107 = arith.constant 0 : i32
    %swap3A_108 = arith.index_cast %swap3A_107 : i32 to index
    %swap3A_109 = arith.constant 80 : index
    %swap3A_110 = tpu.vector_load %arg7[%swap3A_108, %swap3A_109] {strides = array<i32>} : memref<4x128xi32, #tpu.memory_space<vmem>>, vector<1x16xi32>,
    %swap3A_111 = vector.shape_cast %swap3A_110 : vector<1x16xi32> to vector<16xi32>
    %swap3A_112 = vector.shape_cast %add3A_106 : vector<16xi32> to vector<1x16xi32>
    tpu.vector_store %arg7[%swap3A_108, %swap3A_109], %swap3A_112 {strides = array<i32>} : memref<4x128xi32, #tpu.memory_space<vmem>>, vector<1x16xi32>,
    %get3A_113 = arith.constant 0 : i32
    %get3A_114 = arith.index_cast %get3A_113 : i32 to index
    %get3A_115 = arith.constant 96 : index
    %get3A_116 = tpu.vector_load %arg5[%get3A_114, %get3A_115] {strides = array<i32>} : memref<160x128xi32, #tpu.memory_space<vmem>>, vector<1x16xi32>,
    %get3A_117 = vector.shape_cast %get3A_116 : vector<1x16xi32> to vector<16xi32>
    %mul3A_118 = arith.constant 2 : i32
    %mul3A_119 = vector.broadcast %mul3A_118 : i32 to vector<16xi32>
    %mul3A_120 = arith.muli %get3A_117, %mul3A_119 : vector<16xi32>
    %add3A_121 = vector.broadcast %arg0 : i32 to vector<16xi32>
    %add3A_122 = arith.addi %mul3A_120, %add3A_121 : vector<16xi32>
    %swap3A_123 = arith.constant 0 : i32
    %swap3A_124 = arith.index_cast %swap3A_123 : i32 to index
    %swap3A_125 = arith.constant 96 : index
    %swap3A_126 = tpu.vector_load %arg7[%swap3A_124, %swap3A_125] {strides = array<i32>} : memref<4x128xi32, #tpu.memory_space<vmem>>, vector<1x16xi32>,
    %swap3A_127 = vector.shape_cast %swap3A_126 : vector<1x16xi32> to vector<16xi32>
    %swap3A_128 = vector.shape_cast %add3A_122 : vector<16xi32> to vector<1x16xi32>
    tpu.vector_store %arg7[%swap3A_124, %swap3A_125], %swap3A_128 {strides = array<i32>} : memref<4x128xi32, #tpu.memory_space<vmem>>, vector<1x16xi32>,
    %get3A_129 = arith.constant 0 : i32
    %get3A_130 = arith.index_cast %get3A_129 : i32 to index
    %get3A_131 = arith.constant 112 : index
    %get3A_132 = tpu.vector_load %arg5[%get3A_130, %get3A_131] {strides = array<i32>} : memref<160x128xi32, #tpu.memory_space<vmem>>, vector<1x16xi32>,
    %get3A_133 = vector.shape_cast %get3A_132 : vector<1x16xi32> to vector<16xi32>
    %mul3A_134 = arith.constant 2 : i32
    %mul3A_135 = vector.broadcast %mul3A_134 : i32 to vector<16xi32>
    %mul3A_136 = arith.muli %get3A_133, %mul3A_135 : vector<16xi32>
    %add3A_137 = vector.broadcast %arg0 : i32 to vector<16xi32>
    %add3A_138 = arith.addi %mul3A_136, %add3A_137 : vector<16xi32>
    %swap3A_139 = arith.constant 0 : i32
    %swap3A_140 = arith.index_cast %swap3A_139 : i32 to index
    %swap3A_141 = arith.constant 112 : index
    %swap3A_142 = tpu.vector_load %arg7[%swap3A_140, %swap3A_141] {strides = array<i32>} : memref<4x128xi32, #tpu.memory_space<vmem>>, vector<1x16xi32>,
    %swap3A_143 = vector.shape_cast %swap3A_142 : vector<1x16xi32> to vector<16xi32>
    %swap3A_144 = vector.shape_cast %add3A_138 : vector<16xi32> to vector<1x16xi32>
    tpu.vector_store %arg7[%swap3A_140, %swap3A_141], %swap3A_144 {strides = array<i32>} : memref<4x128xi32, #tpu.memory_space<vmem>>, vector<1x16xi32>,
    %dma_start3A = arith.constant 0 : i32
    %dma_start3A_145 = arith.constant 0 : i32
    %dma_start3A_146 = tpu.memref_slice %arg7[%dma_start3A, %dma_start3A_145] : memref<4x128xi32, #tpu.memory_space<vmem>> -> memref<1x128xi32, #tpu.memory_space<vmem>>
    %dma_start3A_147 = tpu.memref_squeeze %dma_start3A_146 : memref<1x128xi32, #tpu.memory_space<vmem>> -> memref<128xi32, #tpu.memory_space<vmem>>
    %dma_start3A_148 = arith.constant 0 : i32
    %dma_start3A_149 = arith.constant 0 : i32
    %dma_start3A_150 = tpu.memref_slice %arg2[%dma_start3A_148, %dma_start3A_149] : memref<20000x64xf32, #tpu.memory_space<hbm>> -> memref<20000x64xf32, #tpu.memory_space<hbm>>
    tpu.enqueue_indirect_dma source(%dma_start3A_150 : memref<20000x64xf32, #tpu.memory_space<hbm>>) target(%arg8 : memref<128x64xf32, #tpu.memory_space<vmem>>) offsets(%dma_start3A_147 : memref<128xi32, #tpu.memory_space<vmem>>) semaphore(%arg13 : memref<!tpu.dma_semaphore, #tpu.memory_space<semaphore_mem>>)
    %get3A_151 = arith.constant 1 : i32
    %get3A_152 = arith.index_cast %get3A_151 : i32 to index
    %get3A_153 = arith.constant 0 : index
    %get3A_154 = tpu.vector_load %arg5[%get3A_152, %get3A_153] {strides = array<i32>} : memref<160x128xi32, #tpu.memory_space<vmem>>, vector<1x16xi32>,
    %get3A_155 = vector.shape_cast %get3A_154 : vector<1x16xi32> to vector<16xi32>
    %mul3A_156 = arith.constant 2 : i32
    %mul3A_157 = vector.broadcast %mul3A_156 : i32 to vector<16xi32>
    %mul3A_158 = arith.muli %get3A_155, %mul3A_157 : vector<16xi32>
    %add3A_159 = vector.broadcast %arg0 : i32 to vector<16xi32>
    %add3A_160 = arith.addi %mul3A_158, %add3A_159 : vector<16xi32>
    %swap3A_161 = arith.constant 1 : i32
    %swap3A_162 = arith.index_cast %swap3A_161 : i32 to index
    %swap3A_163 = arith.constant 0 : index
    %swap3A_164 = tpu.vector_load %arg7[%swap3A_162, %swap3A_163] {strides = array<i32>} : memref<4x128xi32, #tpu.memory_space<vmem>>, vector<1x16xi32>,
    %swap3A_165 = vector.shape_cast %swap3A_164 : vector<1x16xi32> to vector<16xi32>
    %swap3A_166 = vector.shape_cast %add3A_160 : vector<16xi32> to vector<1x16xi32>
    tpu.vector_store %arg7[%swap3A_162, %swap3A_163], %swap3A_166 {strides = array<i32>} : memref<4x128xi32, #tpu.memory_space<vmem>>, vector<1x16xi32>,
    %get3A_167 = arith.constant 1 : i32
    %get3A_168 = arith.index_cast %get3A_167 : i32 to index
    %get3A_169 = arith.constant 16 : index
    %get3A_170 = tpu.vector_load %arg5[%get3A_168, %get3A_169] {strides = array<i32>} : memref<160x128xi32, #tpu.memory_space<vmem>>, vector<1x16xi32>,
    %get3A_171 = vector.shape_cast %get3A_170 : vector<1x16xi32> to vector<16xi32>
    %mul3A_172 = arith.constant 2 : i32
    %mul3A_173 = vector.broadcast %mul3A_172 : i32 to vector<16xi32>
    %mul3A_174 = arith.muli %get3A_171, %mul3A_173 : vector<16xi32>
    %add3A_175 = vector.broadcast %arg0 : i32 to vector<16xi32>
    %add3A_176 = arith.addi %mul3A_174, %add3A_175 : vector<16xi32>
    %swap3A_177 = arith.constant 1 : i32
    %swap3A_178 = arith.index_cast %swap3A_177 : i32 to index
    %swap3A_179 = arith.constant 16 : index
    %swap3A_180 = tpu.vector_load %arg7[%swap3A_178, %swap3A_179] {strides = array<i32>} : memref<4x128xi32, #tpu.memory_space<vmem>>, vector<1x16xi32>,
    %swap3A_181 = vector.shape_cast %swap3A_180 : vector<1x16xi32> to vector<16xi32>
    %swap3A_182 = vector.shape_cast %add3A_176 : vector<16xi32> to vector<1x16xi32>
    tpu.vector_store %arg7[%swap3A_178, %swap3A_179], %swap3A_182 {strides = array<i32>} : memref<4x128xi32, #tpu.memory_space<vmem>>, vector<1x16xi32>,
    %get3A_183 = arith.constant 1 : i32
    %get3A_184 = arith.index_cast %get3A_183 : i32 to index
    %get3A_185 = arith.constant 32 : index
    %get3A_186 = tpu.vector_load %arg5[%get3A_184, %get3A_185] {strides = array<i32>} : memref<160x128xi32, #tpu.memory_space<vmem>>, vector<1x16xi32>,
    %get3A_187 = vector.shape_cast %get3A_186 : vector<1x16xi32> to vector<16xi32>
    %mul3A_188 = arith.constant 2 : i32
    %mul3A_189 = vector.broadcast %mul3A_188 : i32 to vector<16xi32>
    %mul3A_190 = arith.muli %get3A_187, %mul3A_189 : vector<16xi32>
    %add3A_191 = vector.broadcast %arg0 : i32 to vector<16xi32>
    %add3A_192 = arith.addi %mul3A_190, %add3A_191 : vector<16xi32>
    %swap3A_193 = arith.constant 1 : i32
    %swap3A_194 = arith.index_cast %swap3A_193 : i32 to index
    %swap3A_195 = arith.constant 32 : index
    %swap3A_196 = tpu.vector_load %arg7[%swap3A_194, %swap3A_195] {strides = array<i32>} : memref<4x128xi32, #tpu.memory_space<vmem>>, vector<1x16xi32>,
    %swap3A_197 = vector.shape_cast %swap3A_196 : vector<1x16xi32> to vector<16xi32>
    %swap3A_198 = vector.shape_cast %add3A_192 : vector<16xi32> to vector<1x16xi32>
    tpu.vector_store %arg7[%swap3A_194, %swap3A_195], %swap3A_198 {strides = array<i32>} : memref<4x128xi32, #tpu.memory_space<vmem>>, vector<1x16xi32>,
    %get3A_199 = arith.constant 1 : i32
    %get3A_200 = arith.index_cast %get3A_199 : i32 to index
    %get3A_201 = arith.constant 48 : index
    %get3A_202 = tpu.vector_load %arg5[%get3A_200, %get3A_201] {strides = array<i32>} : memref<160x128xi32, #tpu.memory_space<vmem>>, vector<1x16xi32>,
    %get3A_203 = vector.shape_cast %get3A_202 : vector<1x16xi32> to vector<16xi32>
    %mul3A_204 = arith.constant 2 : i32
    %mul3A_205 = vector.broadcast %mul3A_204 : i32 to vector<16xi32>
    %mul3A_206 = arith.muli %get3A_203, %mul3A_205 : vector<16xi32>
    %add3A_207 = vector.broadcast %arg0 : i32 to vector<16xi32>
    %add3A_208 = arith.addi %mul3A_206, %add3A_207 : vector<16xi32>
    %swap3A_209 = arith.constant 1 : i32
    %swap3A_210 = arith.index_cast %swap3A_209 : i32 to index
    %swap3A_211 = arith.constant 48 : index
    %swap3A_212 = tpu.vector_load %arg7[%swap3A_210, %swap3A_211] {strides = array<i32>} : memref<4x128xi32, #tpu.memory_space<vmem>>, vector<1x16xi32>,
    %swap3A_213 = vector.shape_cast %swap3A_212 : vector<1x16xi32> to vector<16xi32>
    %swap3A_214 = vector.shape_cast %add3A_208 : vector<16xi32> to vector<1x16xi32>
    tpu.vector_store %arg7[%swap3A_210, %swap3A_211], %swap3A_214 {strides = array<i32>} : memref<4x128xi32, #tpu.memory_space<vmem>>, vector<1x16xi32>,
    %get3A_215 = arith.constant 1 : i32
    %get3A_216 = arith.index_cast %get3A_215 : i32 to index
    %get3A_217 = arith.constant 64 : index
    %get3A_218 = tpu.vector_load %arg5[%get3A_216, %get3A_217] {strides = array<i32>} : memref<160x128xi32, #tpu.memory_space<vmem>>, vector<1x16xi32>,
    %get3A_219 = vector.shape_cast %get3A_218 : vector<1x16xi32> to vector<16xi32>
    %mul3A_220 = arith.constant 2 : i32
    %mul3A_221 = vector.broadcast %mul3A_220 : i32 to vector<16xi32>
    %mul3A_222 = arith.muli %get3A_219, %mul3A_221 : vector<16xi32>
    %add3A_223 = vector.broadcast %arg0 : i32 to vector<16xi32>
    %add3A_224 = arith.addi %mul3A_222, %add3A_223 : vector<16xi32>
    %swap3A_225 = arith.constant 1 : i32
    %swap3A_226 = arith.index_cast %swap3A_225 : i32 to index
    %swap3A_227 = arith.constant 64 : index
    %swap3A_228 = tpu.vector_load %arg7[%swap3A_226, %swap3A_227] {strides = array<i32>} : memref<4x128xi32, #tpu.memory_space<vmem>>, vector<1x16xi32>,
    %swap3A_229 = vector.shape_cast %swap3A_228 : vector<1x16xi32> to vector<16xi32>
    %swap3A_230 = vector.shape_cast %add3A_224 : vector<16xi32> to vector<1x16xi32>
    tpu.vector_store %arg7[%swap3A_226, %swap3A_227], %swap3A_230 {strides = array<i32>} : memref<4x128xi32, #tpu.memory_space<vmem>>, vector<1x16xi32>,
    %get3A_231 = arith.constant 1 : i32
    %get3A_232 = arith.index_cast %get3A_231 : i32 to index
    %get3A_233 = arith.constant 80 : index
    %get3A_234 = tpu.vector_load %arg5[%get3A_232, %get3A_233] {strides = array<i32>} : memref<160x128xi32, #tpu.memory_space<vmem>>, vector<1x16xi32>,
    %get3A_235 = vector.shape_cast %get3A_234 : vector<1x16xi32> to vector<16xi32>
    %mul3A_236 = arith.constant 2 : i32
    %mul3A_237 = vector.broadcast %mul3A_236 : i32 to vector<16xi32>
    %mul3A_238 = arith.muli %get3A_235, %mul3A_237 : vector<16xi32>
    %add3A_239 = vector.broadcast %arg0 : i32 to vector<16xi32>
    %add3A_240 = arith.addi %mul3A_238, %add3A_239 : vector<16xi32>
    %swap3A_241 = arith.constant 1 : i32
    %swap3A_242 = arith.index_cast %swap3A_241 : i32 to index
    %swap3A_243 = arith.constant 80 : index
    %swap3A_244 = tpu.vector_load %arg7[%swap3A_242, %swap3A_243] {strides = array<i32>} : memref<4x128xi32, #tpu.memory_space<vmem>>, vector<1x16xi32>,
    %swap3A_245 = vector.shape_cast %swap3A_244 : vector<1x16xi32> to vector<16xi32>
    %swap3A_246 = vector.shape_cast %add3A_240 : vector<16xi32> to vector<1x16xi32>
    tpu.vector_store %arg7[%swap3A_242, %swap3A_243], %swap3A_246 {strides = array<i32>} : memref<4x128xi32, #tpu.memory_space<vmem>>, vector<1x16xi32>,
    %get3A_247 = arith.constant 1 : i32
    %get3A_248 = arith.index_cast %get3A_247 : i32 to index
    %get3A_249 = arith.constant 96 : index
    %get3A_250 = tpu.vector_load %arg5[%get3A_248, %get3A_249] {strides = array<i32>} : memref<160x128xi32, #tpu.memory_space<vmem>>, vector<1x16xi32>,
    %get3A_251 = vector.shape_cast %get3A_250 : vector<1x16xi32> to vector<16xi32>
    %mul3A_252 = arith.constant 2 : i32
    %mul3A_253 = vector.broadcast %mul3A_252 : i32 to vector<16xi32>
    %mul3A_254 = arith.muli %get3A_251, %mul3A_253 : vector<16xi32>
    %add3A_255 = vector.broadcast %arg0 : i32 to vector<16xi32>
    %add3A_256 = arith.addi %mul3A_254, %add3A_255 : vector<16xi32>
    %swap3A_257 = arith.constant 1 : i32
    %swap3A_258 = arith.index_cast %swap3A_257 : i32 to index
    %swap3A_259 = arith.constant 96 : index
    %swap3A_260 = tpu.vector_load %arg7[%swap3A_258, %swap3A_259] {strides = array<i32>} : memref<4x128xi32, #tpu.memory_space<vmem>>, vector<1x16xi32>,
    %swap3A_261 = vector.shape_cast %swap3A_260 : vector<1x16xi32> to vector<16xi32>
    %swap3A_262 = vector.shape_cast %add3A_256 : vector<16xi32> to vector<1x16xi32>
    tpu.vector_store %arg7[%swap3A_258, %swap3A_259], %swap3A_262 {strides = array<i32>} : memref<4x128xi32, #tpu.memory_space<vmem>>, vector<1x16xi32>,
    %get3A_263 = arith.constant 1 : i32
    %get3A_264 = arith.index_cast %get3A_263 : i32 to index
    %get3A_265 = arith.constant 112 : index
    %get3A_266 = tpu.vector_load %arg5[%get3A_264, %get3A_265] {strides = array<i32>} : memref<160x128xi32, #tpu.memory_space<vmem>>, vector<1x16xi32>,
    %get3A_267 = vector.shape_cast %get3A_266 : vector<1x16xi32> to vector<16xi32>
    %mul3A_268 = arith.constant 2 : i32
    %mul3A_269 = vector.broadcast %mul3A_268 : i32 to vector<16xi32>
    %mul3A_270 = arith.muli %get3A_267, %mul3A_269 : vector<16xi32>
    %add3A_271 = vector.broadcast %arg0 : i32 to vector<16xi32>
    %add3A_272 = arith.addi %mul3A_270, %add3A_271 : vector<16xi32>
    %swap3A_273 = arith.constant 1 : i32
    %swap3A_274 = arith.index_cast %swap3A_273 : i32 to index
    %swap3A_275 = arith.constant 112 : index
    %swap3A_276 = tpu.vector_load %arg7[%swap3A_274, %swap3A_275] {strides = array<i32>} : memref<4x128xi32, #tpu.memory_space<vmem>>, vector<1x16xi32>,
    %swap3A_277 = vector.shape_cast %swap3A_276 : vector<1x16xi32> to vector<16xi32>
    %swap3A_278 = vector.shape_cast %add3A_272 : vector<16xi32> to vector<1x16xi32>
    tpu.vector_store %arg7[%swap3A_274, %swap3A_275], %swap3A_278 {strides = array<i32>} : memref<4x128xi32, #tpu.memory_space<vmem>>, vector<1x16xi32>,
    %dma_start3A_279 = arith.constant 1 : i32
    %dma_start3A_280 = arith.constant 0 : i32
    %dma_start3A_281 = tpu.memref_slice %arg7[%dma_start3A_279, %dma_start3A_280] : memref<4x128xi32, #tpu.memory_space<vmem>> -> memref<1x128xi32, #tpu.memory_space<vmem>>
    %dma_start3A_282 = tpu.memref_squeeze %dma_start3A_281 : memref<1x128xi32, #tpu.memory_space<vmem>> -> memref<128xi32, #tpu.memory_space<vmem>>
    %dma_start3A_283 = arith.constant 0 : i32
    %dma_start3A_284 = arith.constant 0 : i32
    %dma_start3A_285 = tpu.memref_slice %arg2[%dma_start3A_283, %dma_start3A_284] : memref<20000x64xf32, #tpu.memory_space<hbm>> -> memref<20000x64xf32, #tpu.memory_space<hbm>>
    tpu.enqueue_indirect_dma source(%dma_start3A_285 : memref<20000x64xf32, #tpu.memory_space<hbm>>) target(%arg9 : memref<128x64xf32, #tpu.memory_space<vmem>>) offsets(%dma_start3A_282 : memref<128xi32, #tpu.memory_space<vmem>>) semaphore(%arg14 : memref<!tpu.dma_semaphore, #tpu.memory_space<semaphore_mem>>)
    %get3A_286 = arith.constant 2 : i32
    %get3A_287 = arith.index_cast %get3A_286 : i32 to index
    %get3A_288 = arith.constant 0 : index
    %get3A_289 = tpu.vector_load %arg5[%get3A_287, %get3A_288] {strides = array<i32>} : memref<160x128xi32, #tpu.memory_space<vmem>>, vector<1x16xi32>,
    %get3A_290 = vector.shape_cast %get3A_289 : vector<1x16xi32> to vector<16xi32>
    %mul3A_291 = arith.constant 2 : i32
    %mul3A_292 = vector.broadcast %mul3A_291 : i32 to vector<16xi32>
    %mul3A_293 = arith.muli %get3A_290, %mul3A_292 : vector<16xi32>
    %add3A_294 = vector.broadcast %arg0 : i32 to vector<16xi32>
    %add3A_295 = arith.addi %mul3A_293, %add3A_294 : vector<16xi32>
    %swap3A_296 = arith.constant 2 : i32
    %swap3A_297 = arith.index_cast %swap3A_296 : i32 to index
    %swap3A_298 = arith.constant 0 : index
    %swap3A_299 = tpu.vector_load %arg7[%swap3A_297, %swap3A_298] {strides = array<i32>} : memref<4x128xi32, #tpu.memory_space<vmem>>, vector<1x16xi32>,
    %swap3A_300 = vector.shape_cast %swap3A_299 : vector<1x16xi32> to vector<16xi32>
    %swap3A_301 = vector.shape_cast %add3A_295 : vector<16xi32> to vector<1x16xi32>
    tpu.vector_store %arg7[%swap3A_297, %swap3A_298], %swap3A_301 {strides = array<i32>} : memref<4x128xi32, #tpu.memory_space<vmem>>, vector<1x16xi32>,
    %get3A_302 = arith.constant 2 : i32
    %get3A_303 = arith.index_cast %get3A_302 : i32 to index
    %get3A_304 = arith.constant 16 : index
    %get3A_305 = tpu.vector_load %arg5[%get3A_303, %get3A_304] {strides = array<i32>} : memref<160x128xi32, #tpu.memory_space<vmem>>, vector<1x16xi32>,
    %get3A_306 = vector.shape_cast %get3A_305 : vector<1x16xi32> to vector<16xi32>
    %mul3A_307 = arith.constant 2 : i32
    %mul3A_308 = vector.broadcast %mul3A_307 : i32 to vector<16xi32>
    %mul3A_309 = arith.muli %get3A_306, %mul3A_308 : vector<16xi32>
    %add3A_310 = vector.broadcast %arg0 : i32 to vector<16xi32>
    %add3A_311 = arith.addi %mul3A_309, %add3A_310 : vector<16xi32>
    %swap3A_312 = arith.constant 2 : i32
    %swap3A_313 = arith.index_cast %swap3A_312 : i32 to index
    %swap3A_314 = arith.constant 16 : index
    %swap3A_315 = tpu.vector_load %arg7[%swap3A_313, %swap3A_314] {strides = array<i32>} : memref<4x128xi32, #tpu.memory_space<vmem>>, vector<1x16xi32>,
    %swap3A_316 = vector.shape_cast %swap3A_315 : vector<1x16xi32> to vector<16xi32>
    %swap3A_317 = vector.shape_cast %add3A_311 : vector<16xi32> to vector<1x16xi32>
    tpu.vector_store %arg7[%swap3A_313, %swap3A_314], %swap3A_317 {strides = array<i32>} : memref<4x128xi32, #tpu.memory_space<vmem>>, vector<1x16xi32>,
    %get3A_318 = arith.constant 2 : i32
    %get3A_319 = arith.index_cast %get3A_318 : i32 to index
    %get3A_320 = arith.constant 32 : index
    %get3A_321 = tpu.vector_load %arg5[%get3A_319, %get3A_320] {strides = array<i32>} : memref<160x128xi32, #tpu.memory_space<vmem>>, vector<1x16xi32>,
    %get3A_322 = vector.shape_cast %get3A_321 : vector<1x16xi32> to vector<16xi32>
    %mul3A_323 = arith.constant 2 : i32
    %mul3A_324 = vector.broadcast %mul3A_323 : i32 to vector<16xi32>
    %mul3A_325 = arith.muli %get3A_322, %mul3A_324 : vector<16xi32>
    %add3A_326 = vector.broadcast %arg0 : i32 to vector<16xi32>
    %add3A_327 = arith.addi %mul3A_325, %add3A_326 : vector<16xi32>
    %swap3A_328 = arith.constant 2 : i32
    %swap3A_329 = arith.index_cast %swap3A_328 : i32 to index
    %swap3A_330 = arith.constant 32 : index
    %swap3A_331 = tpu.vector_load %arg7[%swap3A_329, %swap3A_330] {strides = array<i32>} : memref<4x128xi32, #tpu.memory_space<vmem>>, vector<1x16xi32>,
    %swap3A_332 = vector.shape_cast %swap3A_331 : vector<1x16xi32> to vector<16xi32>
    %swap3A_333 = vector.shape_cast %add3A_327 : vector<16xi32> to vector<1x16xi32>
    tpu.vector_store %arg7[%swap3A_329, %swap3A_330], %swap3A_333 {strides = array<i32>} : memref<4x128xi32, #tpu.memory_space<vmem>>, vector<1x16xi32>,
    %get3A_334 = arith.constant 2 : i32
    %get3A_335 = arith.index_cast %get3A_334 : i32 to index
    %get3A_336 = arith.constant 48 : index
    %get3A_337 = tpu.vector_load %arg5[%get3A_335, %get3A_336] {strides = array<i32>} : memref<160x128xi32, #tpu.memory_space<vmem>>, vector<1x16xi32>,
    %get3A_338 = vector.shape_cast %get3A_337 : vector<1x16xi32> to vector<16xi32>
    %mul3A_339 = arith.constant 2 : i32
    %mul3A_340 = vector.broadcast %mul3A_339 : i32 to vector<16xi32>
    %mul3A_341 = arith.muli %get3A_338, %mul3A_340 : vector<16xi32>
    %add3A_342 = vector.broadcast %arg0 : i32 to vector<16xi32>
    %add3A_343 = arith.addi %mul3A_341, %add3A_342 : vector<16xi32>
    %swap3A_344 = arith.constant 2 : i32
    %swap3A_345 = arith.index_cast %swap3A_344 : i32 to index
    %swap3A_346 = arith.constant 48 : index
    %swap3A_347 = tpu.vector_load %arg7[%swap3A_345, %swap3A_346] {strides = array<i32>} : memref<4x128xi32, #tpu.memory_space<vmem>>, vector<1x16xi32>,
    %swap3A_348 = vector.shape_cast %swap3A_347 : vector<1x16xi32> to vector<16xi32>
    %swap3A_349 = vector.shape_cast %add3A_343 : vector<16xi32> to vector<1x16xi32>
    tpu.vector_store %arg7[%swap3A_345, %swap3A_346], %swap3A_349 {strides = array<i32>} : memref<4x128xi32, #tpu.memory_space<vmem>>, vector<1x16xi32>,
    %get3A_350 = arith.constant 2 : i32
    %get3A_351 = arith.index_cast %get3A_350 : i32 to index
    %get3A_352 = arith.constant 64 : index
    %get3A_353 = tpu.vector_load %arg5[%get3A_351, %get3A_352] {strides = array<i32>} : memref<160x128xi32, #tpu.memory_space<vmem>>, vector<1x16xi32>,
    %get3A_354 = vector.shape_cast %get3A_353 : vector<1x16xi32> to vector<16xi32>
    %mul3A_355 = arith.constant 2 : i32
    %mul3A_356 = vector.broadcast %mul3A_355 : i32 to vector<16xi32>
    %mul3A_357 = arith.muli %get3A_354, %mul3A_356 : vector<16xi32>
    %add3A_358 = vector.broadcast %arg0 : i32 to vector<16xi32>
    %add3A_359 = arith.addi %mul3A_357, %add3A_358 : vector<16xi32>
    %swap3A_360 = arith.constant 2 : i32
    %swap3A_361 = arith.index_cast %swap3A_360 : i32 to index
    %swap3A_362 = arith.constant 64 : index
    %swap3A_363 = tpu.vector_load %arg7[%swap3A_361, %swap3A_362] {strides = array<i32>} : memref<4x128xi32, #tpu.memory_space<vmem>>, vector<1x16xi32>,
    %swap3A_364 = vector.shape_cast %swap3A_363 : vector<1x16xi32> to vector<16xi32>
    %swap3A_365 = vector.shape_cast %add3A_359 : vector<16xi32> to vector<1x16xi32>
    tpu.vector_store %arg7[%swap3A_361, %swap3A_362], %swap3A_365 {strides = array<i32>} : memref<4x128xi32, #tpu.memory_space<vmem>>, vector<1x16xi32>,
    %get3A_366 = arith.constant 2 : i32
    %get3A_367 = arith.index_cast %get3A_366 : i32 to index
    %get3A_368 = arith.constant 80 : index
    %get3A_369 = tpu.vector_load %arg5[%get3A_367, %get3A_368] {strides = array<i32>} : memref<160x128xi32, #tpu.memory_space<vmem>>, vector<1x16xi32>,
    %get3A_370 = vector.shape_cast %get3A_369 : vector<1x16xi32> to vector<16xi32>
    %mul3A_371 = arith.constant 2 : i32
    %mul3A_372 = vector.broadcast %mul3A_371 : i32 to vector<16xi32>
    %mul3A_373 = arith.muli %get3A_370, %mul3A_372 : vector<16xi32>
    %add3A_374 = vector.broadcast %arg0 : i32 to vector<16xi32>
    %add3A_375 = arith.addi %mul3A_373, %add3A_374 : vector<16xi32>
    %swap3A_376 = arith.constant 2 : i32
    %swap3A_377 = arith.index_cast %swap3A_376 : i32 to index
    %swap3A_378 = arith.constant 80 : index
    %swap3A_379 = tpu.vector_load %arg7[%swap3A_377, %swap3A_378] {strides = array<i32>} : memref<4x128xi32, #tpu.memory_space<vmem>>, vector<1x16xi32>,
    %swap3A_380 = vector.shape_cast %swap3A_379 : vector<1x16xi32> to vector<16xi32>
    %swap3A_381 = vector.shape_cast %add3A_375 : vector<16xi32> to vector<1x16xi32>
    tpu.vector_store %arg7[%swap3A_377, %swap3A_378], %swap3A_381 {strides = array<i32>} : memref<4x128xi32, #tpu.memory_space<vmem>>, vector<1x16xi32>,
    %get3A_382 = arith.constant 2 : i32
    %get3A_383 = arith.index_cast %get3A_382 : i32 to index
    %get3A_384 = arith.constant 96 : index
    %get3A_385 = tpu.vector_load %arg5[%get3A_383, %get3A_384] {strides = array<i32>} : memref<160x128xi32, #tpu.memory_space<vmem>>, vector<1x16xi32>,
    %get3A_386 = vector.shape_cast %get3A_385 : vector<1x16xi32> to vector<16xi32>
    %mul3A_387 = arith.constant 2 : i32
    %mul3A_388 = vector.broadcast %mul3A_387 : i32 to vector<16xi32>
    %mul3A_389 = arith.muli %get3A_386, %mul3A_388 : vector<16xi32>
    %add3A_390 = vector.broadcast %arg0 : i32 to vector<16xi32>
    %add3A_391 = arith.addi %mul3A_389, %add3A_390 : vector<16xi32>
    %swap3A_392 = arith.constant 2 : i32
    %swap3A_393 = arith.index_cast %swap3A_392 : i32 to index
    %swap3A_394 = arith.constant 96 : index
    %swap3A_395 = tpu.vector_load %arg7[%swap3A_393, %swap3A_394] {strides = array<i32>} : memref<4x128xi32, #tpu.memory_space<vmem>>, vector<1x16xi32>,
    %swap3A_396 = vector.shape_cast %swap3A_395 : vector<1x16xi32> to vector<16xi32>
    %swap3A_397 = vector.shape_cast %add3A_391 : vector<16xi32> to vector<1x16xi32>
    tpu.vector_store %arg7[%swap3A_393, %swap3A_394], %swap3A_397 {strides = array<i32>} : memref<4x128xi32, #tpu.memory_space<vmem>>, vector<1x16xi32>,
    %get3A_398 = arith.constant 2 : i32
    %get3A_399 = arith.index_cast %get3A_398 : i32 to index
    %get3A_400 = arith.constant 112 : index
    %get3A_401 = tpu.vector_load %arg5[%get3A_399, %get3A_400] {strides = array<i32>} : memref<160x128xi32, #tpu.memory_space<vmem>>, vector<1x16xi32>,
    %get3A_402 = vector.shape_cast %get3A_401 : vector<1x16xi32> to vector<16xi32>
    %mul3A_403 = arith.constant 2 : i32
    %mul3A_404 = vector.broadcast %mul3A_403 : i32 to vector<16xi32>
    %mul3A_405 = arith.muli %get3A_402, %mul3A_404 : vector<16xi32>
    %add3A_406 = vector.broadcast %arg0 : i32 to vector<16xi32>
    %add3A_407 = arith.addi %mul3A_405, %add3A_406 : vector<16xi32>
    %swap3A_408 = arith.constant 2 : i32
    %swap3A_409 = arith.index_cast %swap3A_408 : i32 to index
    %swap3A_410 = arith.constant 112 : index
    %swap3A_411 = tpu.vector_load %arg7[%swap3A_409, %swap3A_410] {strides = array<i32>} : memref<4x128xi32, #tpu.memory_space<vmem>>, vector<1x16xi32>,
    %swap3A_412 = vector.shape_cast %swap3A_411 : vector<1x16xi32> to vector<16xi32>
    %swap3A_413 = vector.shape_cast %add3A_407 : vector<16xi32> to vector<1x16xi32>
    tpu.vector_store %arg7[%swap3A_409, %swap3A_410], %swap3A_413 {strides = array<i32>} : memref<4x128xi32, #tpu.memory_space<vmem>>, vector<1x16xi32>,
    %dma_start3A_414 = arith.constant 2 : i32
    %dma_start3A_415 = arith.constant 0 : i32
    %dma_start3A_416 = tpu.memref_slice %arg7[%dma_start3A_414, %dma_start3A_415] : memref<4x128xi32, #tpu.memory_space<vmem>> -> memref<1x128xi32, #tpu.memory_space<vmem>>
    %dma_start3A_417 = tpu.memref_squeeze %dma_start3A_416 : memref<1x128xi32, #tpu.memory_space<vmem>> -> memref<128xi32, #tpu.memory_space<vmem>>
    %dma_start3A_418 = arith.constant 0 : i32
    %dma_start3A_419 = arith.constant 0 : i32
    %dma_start3A_420 = tpu.memref_slice %arg2[%dma_start3A_418, %dma_start3A_419] : memref<20000x64xf32, #tpu.memory_space<hbm>> -> memref<20000x64xf32, #tpu.memory_space<hbm>>
    tpu.enqueue_indirect_dma source(%dma_start3A_420 : memref<20000x64xf32, #tpu.memory_space<hbm>>) target(%arg10 : memref<128x64xf32, #tpu.memory_space<vmem>>) offsets(%dma_start3A_417 : memref<128xi32, #tpu.memory_space<vmem>>) semaphore(%arg15 : memref<!tpu.dma_semaphore, #tpu.memory_space<semaphore_mem>>)
    %get3A_421 = arith.constant 3 : i32
    %get3A_422 = arith.index_cast %get3A_421 : i32 to index
    %get3A_423 = arith.constant 0 : index
    %get3A_424 = tpu.vector_load %arg5[%get3A_422, %get3A_423] {strides = array<i32>} : memref<160x128xi32, #tpu.memory_space<vmem>>, vector<1x16xi32>,
    %get3A_425 = vector.shape_cast %get3A_424 : vector<1x16xi32> to vector<16xi32>
    %mul3A_426 = arith.constant 2 : i32
    %mul3A_427 = vector.broadcast %mul3A_426 : i32 to vector<16xi32>
    %mul3A_428 = arith.muli %get3A_425, %mul3A_427 : vector<16xi32>
    %add3A_429 = vector.broadcast %arg0 : i32 to vector<16xi32>
    %add3A_430 = arith.addi %mul3A_428, %add3A_429 : vector<16xi32>
    %swap3A_431 = arith.constant 3 : i32
    %swap3A_432 = arith.index_cast %swap3A_431 : i32 to index
    %swap3A_433 = arith.constant 0 : index
    %swap3A_434 = tpu.vector_load %arg7[%swap3A_432, %swap3A_433] {strides = array<i32>} : memref<4x128xi32, #tpu.memory_space<vmem>>, vector<1x16xi32>,
    %swap3A_435 = vector.shape_cast %swap3A_434 : vector<1x16xi32> to vector<16xi32>
    %swap3A_436 = vector.shape_cast %add3A_430 : vector<16xi32> to vector<1x16xi32>
    tpu.vector_store %arg7[%swap3A_432, %swap3A_433], %swap3A_436 {strides = array<i32>} : memref<4x128xi32, #tpu.memory_space<vmem>>, vector<1x16xi32>,
    %get3A_437 = arith.constant 3 : i32
    %get3A_438 = arith.index_cast %get3A_437 : i32 to index
    %get3A_439 = arith.constant 16 : index
    %get3A_440 = tpu.vector_load %arg5[%get3A_438, %get3A_439] {strides = array<i32>} : memref<160x128xi32, #tpu.memory_space<vmem>>, vector<1x16xi32>,
    %get3A_441 = vector.shape_cast %get3A_440 : vector<1x16xi32> to vector<16xi32>
    %mul3A_442 = arith.constant 2 : i32
    %mul3A_443 = vector.broadcast %mul3A_442 : i32 to vector<16xi32>
    %mul3A_444 = arith.muli %get3A_441, %mul3A_443 : vector<16xi32>
    %add3A_445 = vector.broadcast %arg0 : i32 to vector<16xi32>
    %add3A_446 = arith.addi %mul3A_444, %add3A_445 : vector<16xi32>
    %swap3A_447 = arith.constant 3 : i32
    %swap3A_448 = arith.index_cast %swap3A_447 : i32 to index
    %swap3A_449 = arith.constant 16 : index
    %swap3A_450 = tpu.vector_load %arg7[%swap3A_448, %swap3A_449] {strides = array<i32>} : memref<4x128xi32, #tpu.memory_space<vmem>>, vector<1x16xi32>,
    %swap3A_451 = vector.shape_cast %swap3A_450 : vector<1x16xi32> to vector<16xi32>
    %swap3A_452 = vector.shape_cast %add3A_446 : vector<16xi32> to vector<1x16xi32>
    tpu.vector_store %arg7[%swap3A_448, %swap3A_449], %swap3A_452 {strides = array<i32>} : memref<4x128xi32, #tpu.memory_space<vmem>>, vector<1x16xi32>,
    %get3A_453 = arith.constant 3 : i32
    %get3A_454 = arith.index_cast %get3A_453 : i32 to index
    %get3A_455 = arith.constant 32 : index
    %get3A_456 = tpu.vector_load %arg5[%get3A_454, %get3A_455] {strides = array<i32>} : memref<160x128xi32, #tpu.memory_space<vmem>>, vector<1x16xi32>,
    %get3A_457 = vector.shape_cast %get3A_456 : vector<1x16xi32> to vector<16xi32>
    %mul3A_458 = arith.constant 2 : i32
    %mul3A_459 = vector.broadcast %mul3A_458 : i32 to vector<16xi32>
    %mul3A_460 = arith.muli %get3A_457, %mul3A_459 : vector<16xi32>
    %add3A_461 = vector.broadcast %arg0 : i32 to vector<16xi32>
    %add3A_462 = arith.addi %mul3A_460, %add3A_461 : vector<16xi32>
    %swap3A_463 = arith.constant 3 : i32
    %swap3A_464 = arith.index_cast %swap3A_463 : i32 to index
    %swap3A_465 = arith.constant 32 : index
    %swap3A_466 = tpu.vector_load %arg7[%swap3A_464, %swap3A_465] {strides = array<i32>} : memref<4x128xi32, #tpu.memory_space<vmem>>, vector<1x16xi32>,
    %swap3A_467 = vector.shape_cast %swap3A_466 : vector<1x16xi32> to vector<16xi32>
    %swap3A_468 = vector.shape_cast %add3A_462 : vector<16xi32> to vector<1x16xi32>
    tpu.vector_store %arg7[%swap3A_464, %swap3A_465], %swap3A_468 {strides = array<i32>} : memref<4x128xi32, #tpu.memory_space<vmem>>, vector<1x16xi32>,
    %get3A_469 = arith.constant 3 : i32
    %get3A_470 = arith.index_cast %get3A_469 : i32 to index
    %get3A_471 = arith.constant 48 : index
    %get3A_472 = tpu.vector_load %arg5[%get3A_470, %get3A_471] {strides = array<i32>} : memref<160x128xi32, #tpu.memory_space<vmem>>, vector<1x16xi32>,
    %get3A_473 = vector.shape_cast %get3A_472 : vector<1x16xi32> to vector<16xi32>
    %mul3A_474 = arith.constant 2 : i32
    %mul3A_475 = vector.broadcast %mul3A_474 : i32 to vector<16xi32>
    %mul3A_476 = arith.muli %get3A_473, %mul3A_475 : vector<16xi32>
    %add3A_477 = vector.broadcast %arg0 : i32 to vector<16xi32>
    %add3A_478 = arith.addi %mul3A_476, %add3A_477 : vector<16xi32>
    %swap3A_479 = arith.constant 3 : i32
    %swap3A_480 = arith.index_cast %swap3A_479 : i32 to index
    %swap3A_481 = arith.constant 48 : index
    %swap3A_482 = tpu.vector_load %arg7[%swap3A_480, %swap3A_481] {strides = array<i32>} : memref<4x128xi32, #tpu.memory_space<vmem>>, vector<1x16xi32>,
    %swap3A_483 = vector.shape_cast %swap3A_482 : vector<1x16xi32> to vector<16xi32>
    %swap3A_484 = vector.shape_cast %add3A_478 : vector<16xi32> to vector<1x16xi32>
    tpu.vector_store %arg7[%swap3A_480, %swap3A_481], %swap3A_484 {strides = array<i32>} : memref<4x128xi32, #tpu.memory_space<vmem>>, vector<1x16xi32>,
    %get3A_485 = arith.constant 3 : i32
    %get3A_486 = arith.index_cast %get3A_485 : i32 to index
    %get3A_487 = arith.constant 64 : index
    %get3A_488 = tpu.vector_load %arg5[%get3A_486, %get3A_487] {strides = array<i32>} : memref<160x128xi32, #tpu.memory_space<vmem>>, vector<1x16xi32>,
    %get3A_489 = vector.shape_cast %get3A_488 : vector<1x16xi32> to vector<16xi32>
    %mul3A_490 = arith.constant 2 : i32
    %mul3A_491 = vector.broadcast %mul3A_490 : i32 to vector<16xi32>
    %mul3A_492 = arith.muli %get3A_489, %mul3A_491 : vector<16xi32>
    %add3A_493 = vector.broadcast %arg0 : i32 to vector<16xi32>
    %add3A_494 = arith.addi %mul3A_492, %add3A_493 : vector<16xi32>
    %swap3A_495 = arith.constant 3 : i32
    %swap3A_496 = arith.index_cast %swap3A_495 : i32 to index
    %swap3A_497 = arith.constant 64 : index
    %swap3A_498 = tpu.vector_load %arg7[%swap3A_496, %swap3A_497] {strides = array<i32>} : memref<4x128xi32, #tpu.memory_space<vmem>>, vector<1x16xi32>,
    %swap3A_499 = vector.shape_cast %swap3A_498 : vector<1x16xi32> to vector<16xi32>
    %swap3A_500 = vector.shape_cast %add3A_494 : vector<16xi32> to vector<1x16xi32>
    tpu.vector_store %arg7[%swap3A_496, %swap3A_497], %swap3A_500 {strides = array<i32>} : memref<4x128xi32, #tpu.memory_space<vmem>>, vector<1x16xi32>,
    %get3A_501 = arith.constant 3 : i32
    %get3A_502 = arith.index_cast %get3A_501 : i32 to index
    %get3A_503 = arith.constant 80 : index
    %get3A_504 = tpu.vector_load %arg5[%get3A_502, %get3A_503] {strides = array<i32>} : memref<160x128xi32, #tpu.memory_space<vmem>>, vector<1x16xi32>,
    %get3A_505 = vector.shape_cast %get3A_504 : vector<1x16xi32> to vector<16xi32>
    %mul3A_506 = arith.constant 2 : i32
    %mul3A_507 = vector.broadcast %mul3A_506 : i32 to vector<16xi32>
    %mul3A_508 = arith.muli %get3A_505, %mul3A_507 : vector<16xi32>
    %add3A_509 = vector.broadcast %arg0 : i32 to vector<16xi32>
    %add3A_510 = arith.addi %mul3A_508, %add3A_509 : vector<16xi32>
    %swap3A_511 = arith.constant 3 : i32
    %swap3A_512 = arith.index_cast %swap3A_511 : i32 to index
    %swap3A_513 = arith.constant 80 : index
    %swap3A_514 = tpu.vector_load %arg7[%swap3A_512, %swap3A_513] {strides = array<i32>} : memref<4x128xi32, #tpu.memory_space<vmem>>, vector<1x16xi32>,
    %swap3A_515 = vector.shape_cast %swap3A_514 : vector<1x16xi32> to vector<16xi32>
    %swap3A_516 = vector.shape_cast %add3A_510 : vector<16xi32> to vector<1x16xi32>
    tpu.vector_store %arg7[%swap3A_512, %swap3A_513], %swap3A_516 {strides = array<i32>} : memref<4x128xi32, #tpu.memory_space<vmem>>, vector<1x16xi32>,
    %get3A_517 = arith.constant 3 : i32
    %get3A_518 = arith.index_cast %get3A_517 : i32 to index
    %get3A_519 = arith.constant 96 : index
    %get3A_520 = tpu.vector_load %arg5[%get3A_518, %get3A_519] {strides = array<i32>} : memref<160x128xi32, #tpu.memory_space<vmem>>, vector<1x16xi32>,
    %get3A_521 = vector.shape_cast %get3A_520 : vector<1x16xi32> to vector<16xi32>
    %mul3A_522 = arith.constant 2 : i32
    %mul3A_523 = vector.broadcast %mul3A_522 : i32 to vector<16xi32>
    %mul3A_524 = arith.muli %get3A_521, %mul3A_523 : vector<16xi32>
    %add3A_525 = vector.broadcast %arg0 : i32 to vector<16xi32>
    %add3A_526 = arith.addi %mul3A_524, %add3A_525 : vector<16xi32>
    %swap3A_527 = arith.constant 3 : i32
    %swap3A_528 = arith.index_cast %swap3A_527 : i32 to index
    %swap3A_529 = arith.constant 96 : index
    %swap3A_530 = tpu.vector_load %arg7[%swap3A_528, %swap3A_529] {strides = array<i32>} : memref<4x128xi32, #tpu.memory_space<vmem>>, vector<1x16xi32>,
    %swap3A_531 = vector.shape_cast %swap3A_530 : vector<1x16xi32> to vector<16xi32>
    %swap3A_532 = vector.shape_cast %add3A_526 : vector<16xi32> to vector<1x16xi32>
    tpu.vector_store %arg7[%swap3A_528, %swap3A_529], %swap3A_532 {strides = array<i32>} : memref<4x128xi32, #tpu.memory_space<vmem>>, vector<1x16xi32>,
    %get3A_533 = arith.constant 3 : i32
    %get3A_534 = arith.index_cast %get3A_533 : i32 to index
    %get3A_535 = arith.constant 112 : index
    %get3A_536 = tpu.vector_load %arg5[%get3A_534, %get3A_535] {strides = array<i32>} : memref<160x128xi32, #tpu.memory_space<vmem>>, vector<1x16xi32>,
    %get3A_537 = vector.shape_cast %get3A_536 : vector<1x16xi32> to vector<16xi32>
    %mul3A_538 = arith.constant 2 : i32
    %mul3A_539 = vector.broadcast %mul3A_538 : i32 to vector<16xi32>
    %mul3A_540 = arith.muli %get3A_537, %mul3A_539 : vector<16xi32>
    %add3A_541 = vector.broadcast %arg0 : i32 to vector<16xi32>
    %add3A_542 = arith.addi %mul3A_540, %add3A_541 : vector<16xi32>
    %swap3A_543 = arith.constant 3 : i32
    %swap3A_544 = arith.index_cast %swap3A_543 : i32 to index
    %swap3A_545 = arith.constant 112 : index
    %swap3A_546 = tpu.vector_load %arg7[%swap3A_544, %swap3A_545] {strides = array<i32>} : memref<4x128xi32, #tpu.memory_space<vmem>>, vector<1x16xi32>,
    %swap3A_547 = vector.shape_cast %swap3A_546 : vector<1x16xi32> to vector<16xi32>
    %swap3A_548 = vector.shape_cast %add3A_542 : vector<16xi32> to vector<1x16xi32>
    tpu.vector_store %arg7[%swap3A_544, %swap3A_545], %swap3A_548 {strides = array<i32>} : memref<4x128xi32, #tpu.memory_space<vmem>>, vector<1x16xi32>,
    %dma_start3A_549 = arith.constant 3 : i32
    %dma_start3A_550 = arith.constant 0 : i32
    %dma_start3A_551 = tpu.memref_slice %arg7[%dma_start3A_549, %dma_start3A_550] : memref<4x128xi32, #tpu.memory_space<vmem>> -> memref<1x128xi32, #tpu.memory_space<vmem>>
    %dma_start3A_552 = tpu.memref_squeeze %dma_start3A_551 : memref<1x128xi32, #tpu.memory_space<vmem>> -> memref<128xi32, #tpu.memory_space<vmem>>
    %dma_start3A_553 = arith.constant 0 : i32
    %dma_start3A_554 = arith.constant 0 : i32
    %dma_start3A_555 = tpu.memref_slice %arg2[%dma_start3A_553, %dma_start3A_554] : memref<20000x64xf32, #tpu.memory_space<hbm>> -> memref<20000x64xf32, #tpu.memory_space<hbm>>
    tpu.enqueue_indirect_dma source(%dma_start3A_555 : memref<20000x64xf32, #tpu.memory_space<hbm>>) target(%arg11 : memref<128x64xf32, #tpu.memory_space<vmem>>) offsets(%dma_start3A_552 : memref<128xi32, #tpu.memory_space<vmem>>) semaphore(%arg16 : memref<!tpu.dma_semaphore, #tpu.memory_space<semaphore_mem>>)
    %scan3A_556 = arith.constant 0 : i32
    %scan3A_557 = arith.constant 0 : i32
    %scan3A_558 = arith.constant 40 : i32
    %scan3A_559 = arith.addi %scan3A_557, %scan3A_558 : i32
    %scan3A_560 = arith.constant 1 : i32
    scf.for %scan3A_568 = %scan3A_557 to %scan3A_559 step %scan3A_560  : i32 {
      %mul3A_569 = arith.constant 4 : i32
      %mul3A_570 = arith.muli %mul3A_569, %scan3A_568 : i32
      %dma_wait3A = arith.constant 0 : i32
      %dma_wait3A_571 = arith.constant 0 : i32
      %dma_wait3A_572 = tpu.memref_slice %arg7[%dma_wait3A, %dma_wait3A_571] : memref<4x128xi32, #tpu.memory_space<vmem>> -> memref<1x128xi32, #tpu.memory_space<vmem>>
      %dma_wait3A_573 = tpu.memref_squeeze %dma_wait3A_572 : memref<1x128xi32, #tpu.memory_space<vmem>> -> memref<128xi32, #tpu.memory_space<vmem>>
      %dma_wait3A_574 = arith.constant 0 : i32
      %dma_wait3A_575 = arith.constant 0 : i32
      %dma_wait3A_576 = tpu.memref_slice %arg2[%dma_wait3A_574, %dma_wait3A_575] : memref<20000x64xf32, #tpu.memory_space<hbm>> -> memref<20000x64xf32, #tpu.memory_space<hbm>>
      tpu.wait_indirect_dma semaphore(%arg13 : memref<!tpu.dma_semaphore, #tpu.memory_space<semaphore_mem>>) src(%dma_wait3A_576 : memref<20000x64xf32, #tpu.memory_space<hbm>>) dst(%arg8 : memref<128x64xf32, #tpu.memory_space<vmem>>)
      %add3A_577 = arith.constant 0 : i32
      %add3A_578 = arith.addi %mul3A_570, %add3A_577 : i32
      "tpu.region"() ({
        %run_scoped3A_641 = tpu.sem_alloc : memref<!tpu.dma_semaphore, #tpu.memory_space<semaphore_mem>>
        %dma_start3A_642 = arith.constant 0 : i32
        %dma_start3A_643 = tpu.memref_slice %arg6[%add3A_578, %dma_start3A_642] : memref<160x128xi32, #tpu.memory_space<vmem>> -> memref<1x128xi32, #tpu.memory_space<vmem>>
        %dma_start3A_644 = tpu.memref_squeeze %dma_start3A_643 : memref<1x128xi32, #tpu.memory_space<vmem>> -> memref<128xi32, #tpu.memory_space<vmem>>
        %dma_start3A_645 = arith.constant 0 : i32
        %dma_start3A_646 = arith.constant 0 : i32
        %dma_start3A_647 = tpu.memref_slice %arg12[%dma_start3A_645, %dma_start3A_646] : memref<10128x64xf32, #tpu.memory_space<vmem_shared>> -> memref<10128x64xf32, #tpu.memory_space<vmem_shared>>
        tpu.enqueue_indirect_dma source(%arg8 : memref<128x64xf32, #tpu.memory_space<vmem>>) target(%dma_start3A_647 : memref<10128x64xf32, #tpu.memory_space<vmem_shared>>) offsets(%dma_start3A_644 : memref<128xi32, #tpu.memory_space<vmem>>) semaphore(%run_scoped3A_641 : memref<!tpu.dma_semaphore, #tpu.memory_space<semaphore_mem>>) {add = true}
        %dma_wait3A_648 = arith.constant 0 : i32
        %dma_wait3A_649 = tpu.memref_slice %arg6[%add3A_578, %dma_wait3A_648] : memref<160x128xi32, #tpu.memory_space<vmem>> -> memref<1x128xi32, #tpu.memory_space<vmem>>
        %dma_wait3A_650 = tpu.memref_squeeze %dma_wait3A_649 : memref<1x128xi32, #tpu.memory_space<vmem>> -> memref<128xi32, #tpu.memory_space<vmem>>
        %dma_wait3A_651 = arith.constant 0 : i32
        %dma_wait3A_652 = arith.constant 0 : i32
        %dma_wait3A_653 = tpu.memref_slice %arg12[%dma_wait3A_651, %dma_wait3A_652] : memref<10128x64xf32, #tpu.memory_space<vmem_shared>> -> memref<10128x64xf32, #tpu.memory_space<vmem_shared>>
        tpu.wait_indirect_dma semaphore(%run_scoped3A_641 : memref<!tpu.dma_semaphore, #tpu.memory_space<semaphore_mem>>) src(%arg8 : memref<128x64xf32, #tpu.memory_space<vmem>>) dst(%dma_wait3A_653 : memref<10128x64xf32, #tpu.memory_space<vmem_shared>>)
        tpu.yield
      }) : () -> ()
      %add3A_579 = arith.constant 0 : i32
      %add3A_580 = arith.addi %mul3A_570, %add3A_579 : i32
      %add3A_581 = arith.constant 4 : i32
      %add3A_582 = arith.addi %add3A_580, %add3A_581 : i32
      %lt3A = arith.constant 160 : i32
      %lt3A_583 = arith.cmpi slt, %add3A_582, %lt3A : i32
      %convert_element_type3A_584 = arith.extui %lt3A_583 : i1 to i32
      %cond3A_585 = arith.constant 0 : i32
      %cond3A_586 = arith.cmpi ne, %convert_element_type3A_584, %cond3A_585 : i32
      scf.if %cond3A_586 {
        %add3A_641 = arith.constant 0 : i32
        %add3A_642 = arith.addi %mul3A_570, %add3A_641 : i32
        %add3A_643 = arith.constant 4 : i32
        %add3A_644 = arith.addi %add3A_642, %add3A_643 : i32
        %get3A_645 = arith.index_cast %add3A_644 : i32 to index
        %get3A_646 = arith.constant 0 : index
        %get3A_647 = tpu.vector_load %arg5[%get3A_645, %get3A_646] {strides = array<i32>} : memref<160x128xi32, #tpu.memory_space<vmem>>, vector<1x16xi32>,
        %get3A_648 = vector.shape_cast %get3A_647 : vector<1x16xi32> to vector<16xi32>
        %mul3A_649 = arith.constant 2 : i32
        %mul3A_650 = vector.broadcast %mul3A_649 : i32 to vector<16xi32>
        %mul3A_651 = arith.muli %get3A_648, %mul3A_650 : vector<16xi32>
        %add3A_652 = vector.broadcast %arg0 : i32 to vector<16xi32>
        %add3A_653 = arith.addi %mul3A_651, %add3A_652 : vector<16xi32>
        %swap3A_654 = arith.constant 0 : i32
        %swap3A_655 = arith.index_cast %swap3A_654 : i32 to index
        %swap3A_656 = arith.constant 0 : index
        %swap3A_657 = tpu.vector_load %arg7[%swap3A_655, %swap3A_656] {strides = array<i32>} : memref<4x128xi32, #tpu.memory_space<vmem>>, vector<1x16xi32>,
        %swap3A_658 = vector.shape_cast %swap3A_657 : vector<1x16xi32> to vector<16xi32>
        %swap3A_659 = vector.shape_cast %add3A_653 : vector<16xi32> to vector<1x16xi32>
        tpu.vector_store %arg7[%swap3A_655, %swap3A_656], %swap3A_659 {strides = array<i32>} : memref<4x128xi32, #tpu.memory_space<vmem>>, vector<1x16xi32>,
        %get3A_660 = arith.index_cast %add3A_644 : i32 to index
        %get3A_661 = arith.constant 16 : index
        %get3A_662 = tpu.vector_load %arg5[%get3A_660, %get3A_661] {strides = array<i32>} : memref<160x128xi32, #tpu.memory_space<vmem>>, vector<1x16xi32>,
        %get3A_663 = vector.shape_cast %get3A_662 : vector<1x16xi32> to vector<16xi32>
        %mul3A_664 = arith.constant 2 : i32
        %mul3A_665 = vector.broadcast %mul3A_664 : i32 to vector<16xi32>
        %mul3A_666 = arith.muli %get3A_663, %mul3A_665 : vector<16xi32>
        %add3A_667 = vector.broadcast %arg0 : i32 to vector<16xi32>
        %add3A_668 = arith.addi %mul3A_666, %add3A_667 : vector<16xi32>
        %swap3A_669 = arith.constant 0 : i32
        %swap3A_670 = arith.index_cast %swap3A_669 : i32 to index
        %swap3A_671 = arith.constant 16 : index
        %swap3A_672 = tpu.vector_load %arg7[%swap3A_670, %swap3A_671] {strides = array<i32>} : memref<4x128xi32, #tpu.memory_space<vmem>>, vector<1x16xi32>,
        %swap3A_673 = vector.shape_cast %swap3A_672 : vector<1x16xi32> to vector<16xi32>
        %swap3A_674 = vector.shape_cast %add3A_668 : vector<16xi32> to vector<1x16xi32>
        tpu.vector_store %arg7[%swap3A_670, %swap3A_671], %swap3A_674 {strides = array<i32>} : memref<4x128xi32, #tpu.memory_space<vmem>>, vector<1x16xi32>,
        %get3A_675 = arith.index_cast %add3A_644 : i32 to index
        %get3A_676 = arith.constant 32 : index
        %get3A_677 = tpu.vector_load %arg5[%get3A_675, %get3A_676] {strides = array<i32>} : memref<160x128xi32, #tpu.memory_space<vmem>>, vector<1x16xi32>,
        %get3A_678 = vector.shape_cast %get3A_677 : vector<1x16xi32> to vector<16xi32>
        %mul3A_679 = arith.constant 2 : i32
        %mul3A_680 = vector.broadcast %mul3A_679 : i32 to vector<16xi32>
        %mul3A_681 = arith.muli %get3A_678, %mul3A_680 : vector<16xi32>
        %add3A_682 = vector.broadcast %arg0 : i32 to vector<16xi32>
        %add3A_683 = arith.addi %mul3A_681, %add3A_682 : vector<16xi32>
        %swap3A_684 = arith.constant 0 : i32
        %swap3A_685 = arith.index_cast %swap3A_684 : i32 to index
        %swap3A_686 = arith.constant 32 : index
        %swap3A_687 = tpu.vector_load %arg7[%swap3A_685, %swap3A_686] {strides = array<i32>} : memref<4x128xi32, #tpu.memory_space<vmem>>, vector<1x16xi32>,
        %swap3A_688 = vector.shape_cast %swap3A_687 : vector<1x16xi32> to vector<16xi32>
        %swap3A_689 = vector.shape_cast %add3A_683 : vector<16xi32> to vector<1x16xi32>
        tpu.vector_store %arg7[%swap3A_685, %swap3A_686], %swap3A_689 {strides = array<i32>} : memref<4x128xi32, #tpu.memory_space<vmem>>, vector<1x16xi32>,
        %get3A_690 = arith.index_cast %add3A_644 : i32 to index
        %get3A_691 = arith.constant 48 : index
        %get3A_692 = tpu.vector_load %arg5[%get3A_690, %get3A_691] {strides = array<i32>} : memref<160x128xi32, #tpu.memory_space<vmem>>, vector<1x16xi32>,
        %get3A_693 = vector.shape_cast %get3A_692 : vector<1x16xi32> to vector<16xi32>
        %mul3A_694 = arith.constant 2 : i32
        %mul3A_695 = vector.broadcast %mul3A_694 : i32 to vector<16xi32>
        %mul3A_696 = arith.muli %get3A_693, %mul3A_695 : vector<16xi32>
        %add3A_697 = vector.broadcast %arg0 : i32 to vector<16xi32>
        %add3A_698 = arith.addi %mul3A_696, %add3A_697 : vector<16xi32>
        %swap3A_699 = arith.constant 0 : i32
        %swap3A_700 = arith.index_cast %swap3A_699 : i32 to index
        %swap3A_701 = arith.constant 48 : index
        %swap3A_702 = tpu.vector_load %arg7[%swap3A_700, %swap3A_701] {strides = array<i32>} : memref<4x128xi32, #tpu.memory_space<vmem>>, vector<1x16xi32>,
        %swap3A_703 = vector.shape_cast %swap3A_702 : vector<1x16xi32> to vector<16xi32>
        %swap3A_704 = vector.shape_cast %add3A_698 : vector<16xi32> to vector<1x16xi32>
        tpu.vector_store %arg7[%swap3A_700, %swap3A_701], %swap3A_704 {strides = array<i32>} : memref<4x128xi32, #tpu.memory_space<vmem>>, vector<1x16xi32>,
        %get3A_705 = arith.index_cast %add3A_644 : i32 to index
        %get3A_706 = arith.constant 64 : index
        %get3A_707 = tpu.vector_load %arg5[%get3A_705, %get3A_706] {strides = array<i32>} : memref<160x128xi32, #tpu.memory_space<vmem>>, vector<1x16xi32>,
        %get3A_708 = vector.shape_cast %get3A_707 : vector<1x16xi32> to vector<16xi32>
        %mul3A_709 = arith.constant 2 : i32
        %mul3A_710 = vector.broadcast %mul3A_709 : i32 to vector<16xi32>
        %mul3A_711 = arith.muli %get3A_708, %mul3A_710 : vector<16xi32>
        %add3A_712 = vector.broadcast %arg0 : i32 to vector<16xi32>
        %add3A_713 = arith.addi %mul3A_711, %add3A_712 : vector<16xi32>
        %swap3A_714 = arith.constant 0 : i32
        %swap3A_715 = arith.index_cast %swap3A_714 : i32 to index
        %swap3A_716 = arith.constant 64 : index
        %swap3A_717 = tpu.vector_load %arg7[%swap3A_715, %swap3A_716] {strides = array<i32>} : memref<4x128xi32, #tpu.memory_space<vmem>>, vector<1x16xi32>,
        %swap3A_718 = vector.shape_cast %swap3A_717 : vector<1x16xi32> to vector<16xi32>
        %swap3A_719 = vector.shape_cast %add3A_713 : vector<16xi32> to vector<1x16xi32>
        tpu.vector_store %arg7[%swap3A_715, %swap3A_716], %swap3A_719 {strides = array<i32>} : memref<4x128xi32, #tpu.memory_space<vmem>>, vector<1x16xi32>,
        %get3A_720 = arith.index_cast %add3A_644 : i32 to index
        %get3A_721 = arith.constant 80 : index
        %get3A_722 = tpu.vector_load %arg5[%get3A_720, %get3A_721] {strides = array<i32>} : memref<160x128xi32, #tpu.memory_space<vmem>>, vector<1x16xi32>,
        %get3A_723 = vector.shape_cast %get3A_722 : vector<1x16xi32> to vector<16xi32>
        %mul3A_724 = arith.constant 2 : i32
        %mul3A_725 = vector.broadcast %mul3A_724 : i32 to vector<16xi32>
        %mul3A_726 = arith.muli %get3A_723, %mul3A_725 : vector<16xi32>
        %add3A_727 = vector.broadcast %arg0 : i32 to vector<16xi32>
        %add3A_728 = arith.addi %mul3A_726, %add3A_727 : vector<16xi32>
        %swap3A_729 = arith.constant 0 : i32
        %swap3A_730 = arith.index_cast %swap3A_729 : i32 to index
        %swap3A_731 = arith.constant 80 : index
        %swap3A_732 = tpu.vector_load %arg7[%swap3A_730, %swap3A_731] {strides = array<i32>} : memref<4x128xi32, #tpu.memory_space<vmem>>, vector<1x16xi32>,
        %swap3A_733 = vector.shape_cast %swap3A_732 : vector<1x16xi32> to vector<16xi32>
        %swap3A_734 = vector.shape_cast %add3A_728 : vector<16xi32> to vector<1x16xi32>
        tpu.vector_store %arg7[%swap3A_730, %swap3A_731], %swap3A_734 {strides = array<i32>} : memref<4x128xi32, #tpu.memory_space<vmem>>, vector<1x16xi32>,
        %get3A_735 = arith.index_cast %add3A_644 : i32 to index
        %get3A_736 = arith.constant 96 : index
        %get3A_737 = tpu.vector_load %arg5[%get3A_735, %get3A_736] {strides = array<i32>} : memref<160x128xi32, #tpu.memory_space<vmem>>, vector<1x16xi32>,
        %get3A_738 = vector.shape_cast %get3A_737 : vector<1x16xi32> to vector<16xi32>
        %mul3A_739 = arith.constant 2 : i32
        %mul3A_740 = vector.broadcast %mul3A_739 : i32 to vector<16xi32>
        %mul3A_741 = arith.muli %get3A_738, %mul3A_740 : vector<16xi32>
        %add3A_742 = vector.broadcast %arg0 : i32 to vector<16xi32>
        %add3A_743 = arith.addi %mul3A_741, %add3A_742 : vector<16xi32>
        %swap3A_744 = arith.constant 0 : i32
        %swap3A_745 = arith.index_cast %swap3A_744 : i32 to index
        %swap3A_746 = arith.constant 96 : index
        %swap3A_747 = tpu.vector_load %arg7[%swap3A_745, %swap3A_746] {strides = array<i32>} : memref<4x128xi32, #tpu.memory_space<vmem>>, vector<1x16xi32>,
        %swap3A_748 = vector.shape_cast %swap3A_747 : vector<1x16xi32> to vector<16xi32>
        %swap3A_749 = vector.shape_cast %add3A_743 : vector<16xi32> to vector<1x16xi32>
        tpu.vector_store %arg7[%swap3A_745, %swap3A_746], %swap3A_749 {strides = array<i32>} : memref<4x128xi32, #tpu.memory_space<vmem>>, vector<1x16xi32>,
        %get3A_750 = arith.index_cast %add3A_644 : i32 to index
        %get3A_751 = arith.constant 112 : index
        %get3A_752 = tpu.vector_load %arg5[%get3A_750, %get3A_751] {strides = array<i32>} : memref<160x128xi32, #tpu.memory_space<vmem>>, vector<1x16xi32>,
        %get3A_753 = vector.shape_cast %get3A_752 : vector<1x16xi32> to vector<16xi32>
        %mul3A_754 = arith.constant 2 : i32
        %mul3A_755 = vector.broadcast %mul3A_754 : i32 to vector<16xi32>
        %mul3A_756 = arith.muli %get3A_753, %mul3A_755 : vector<16xi32>
        %add3A_757 = vector.broadcast %arg0 : i32 to vector<16xi32>
        %add3A_758 = arith.addi %mul3A_756, %add3A_757 : vector<16xi32>
        %swap3A_759 = arith.constant 0 : i32
        %swap3A_760 = arith.index_cast %swap3A_759 : i32 to index
        %swap3A_761 = arith.constant 112 : index
        %swap3A_762 = tpu.vector_load %arg7[%swap3A_760, %swap3A_761] {strides = array<i32>} : memref<4x128xi32, #tpu.memory_space<vmem>>, vector<1x16xi32>,
        %swap3A_763 = vector.shape_cast %swap3A_762 : vector<1x16xi32> to vector<16xi32>
        %swap3A_764 = vector.shape_cast %add3A_758 : vector<16xi32> to vector<1x16xi32>
        tpu.vector_store %arg7[%swap3A_760, %swap3A_761], %swap3A_764 {strides = array<i32>} : memref<4x128xi32, #tpu.memory_space<vmem>>, vector<1x16xi32>,
        %dma_start3A_765 = arith.constant 0 : i32
        %dma_start3A_766 = arith.constant 0 : i32
        %dma_start3A_767 = tpu.memref_slice %arg7[%dma_start3A_765, %dma_start3A_766] : memref<4x128xi32, #tpu.memory_space<vmem>> -> memref<1x128xi32, #tpu.memory_space<vmem>>
        %dma_start3A_768 = tpu.memref_squeeze %dma_start3A_767 : memref<1x128xi32, #tpu.memory_space<vmem>> -> memref<128xi32, #tpu.memory_space<vmem>>
        %dma_start3A_769 = arith.constant 0 : i32
        %dma_start3A_770 = arith.constant 0 : i32
        %dma_start3A_771 = tpu.memref_slice %arg2[%dma_start3A_769, %dma_start3A_770] : memref<20000x64xf32, #tpu.memory_space<hbm>> -> memref<20000x64xf32, #tpu.memory_space<hbm>>
        tpu.enqueue_indirect_dma source(%dma_start3A_771 : memref<20000x64xf32, #tpu.memory_space<hbm>>) target(%arg8 : memref<128x64xf32, #tpu.memory_space<vmem>>) offsets(%dma_start3A_768 : memref<128xi32, #tpu.memory_space<vmem>>) semaphore(%arg13 : memref<!tpu.dma_semaphore, #tpu.memory_space<semaphore_mem>>)
      } else {
      }
      %dma_wait3A_587 = arith.constant 1 : i32
      %dma_wait3A_588 = arith.constant 0 : i32
      %dma_wait3A_589 = tpu.memref_slice %arg7[%dma_wait3A_587, %dma_wait3A_588] : memref<4x128xi32, #tpu.memory_space<vmem>> -> memref<1x128xi32, #tpu.memory_space<vmem>>
      %dma_wait3A_590 = tpu.memref_squeeze %dma_wait3A_589 : memref<1x128xi32, #tpu.memory_space<vmem>> -> memref<128xi32, #tpu.memory_space<vmem>>
      %dma_wait3A_591 = arith.constant 0 : i32
      %dma_wait3A_592 = arith.constant 0 : i32
      %dma_wait3A_593 = tpu.memref_slice %arg2[%dma_wait3A_591, %dma_wait3A_592] : memref<20000x64xf32, #tpu.memory_space<hbm>> -> memref<20000x64xf32, #tpu.memory_space<hbm>>
      tpu.wait_indirect_dma semaphore(%arg14 : memref<!tpu.dma_semaphore, #tpu.memory_space<semaphore_mem>>) src(%dma_wait3A_593 : memref<20000x64xf32, #tpu.memory_space<hbm>>) dst(%arg9 : memref<128x64xf32, #tpu.memory_space<vmem>>)
      %add3A_594 = arith.constant 1 : i32
      %add3A_595 = arith.addi %mul3A_570, %add3A_594 : i32
      "tpu.region"() ({
        %run_scoped3A_641 = tpu.sem_alloc : memref<!tpu.dma_semaphore, #tpu.memory_space<semaphore_mem>>
        %dma_start3A_642 = arith.constant 0 : i32
        %dma_start3A_643 = tpu.memref_slice %arg6[%add3A_595, %dma_start3A_642] : memref<160x128xi32, #tpu.memory_space<vmem>> -> memref<1x128xi32, #tpu.memory_space<vmem>>
        %dma_start3A_644 = tpu.memref_squeeze %dma_start3A_643 : memref<1x128xi32, #tpu.memory_space<vmem>> -> memref<128xi32, #tpu.memory_space<vmem>>
        %dma_start3A_645 = arith.constant 0 : i32
        %dma_start3A_646 = arith.constant 0 : i32
        %dma_start3A_647 = tpu.memref_slice %arg12[%dma_start3A_645, %dma_start3A_646] : memref<10128x64xf32, #tpu.memory_space<vmem_shared>> -> memref<10128x64xf32, #tpu.memory_space<vmem_shared>>
        tpu.enqueue_indirect_dma source(%arg9 : memref<128x64xf32, #tpu.memory_space<vmem>>) target(%dma_start3A_647 : memref<10128x64xf32, #tpu.memory_space<vmem_shared>>) offsets(%dma_start3A_644 : memref<128xi32, #tpu.memory_space<vmem>>) semaphore(%run_scoped3A_641 : memref<!tpu.dma_semaphore, #tpu.memory_space<semaphore_mem>>) {add = true}
        %dma_wait3A_648 = arith.constant 0 : i32
        %dma_wait3A_649 = tpu.memref_slice %arg6[%add3A_595, %dma_wait3A_648] : memref<160x128xi32, #tpu.memory_space<vmem>> -> memref<1x128xi32, #tpu.memory_space<vmem>>
        %dma_wait3A_650 = tpu.memref_squeeze %dma_wait3A_649 : memref<1x128xi32, #tpu.memory_space<vmem>> -> memref<128xi32, #tpu.memory_space<vmem>>
        %dma_wait3A_651 = arith.constant 0 : i32
        %dma_wait3A_652 = arith.constant 0 : i32
        %dma_wait3A_653 = tpu.memref_slice %arg12[%dma_wait3A_651, %dma_wait3A_652] : memref<10128x64xf32, #tpu.memory_space<vmem_shared>> -> memref<10128x64xf32, #tpu.memory_space<vmem_shared>>
        tpu.wait_indirect_dma semaphore(%run_scoped3A_641 : memref<!tpu.dma_semaphore, #tpu.memory_space<semaphore_mem>>) src(%arg9 : memref<128x64xf32, #tpu.memory_space<vmem>>) dst(%dma_wait3A_653 : memref<10128x64xf32, #tpu.memory_space<vmem_shared>>)
        tpu.yield
      }) : () -> ()
      %add3A_596 = arith.constant 1 : i32
      %add3A_597 = arith.addi %mul3A_570, %add3A_596 : i32
      %add3A_598 = arith.constant 4 : i32
      %add3A_599 = arith.addi %add3A_597, %add3A_598 : i32
      %lt3A_600 = arith.constant 160 : i32
      %lt3A_601 = arith.cmpi slt, %add3A_599, %lt3A_600 : i32
      %convert_element_type3A_602 = arith.extui %lt3A_601 : i1 to i32
      %cond3A_603 = arith.constant 0 : i32
      %cond3A_604 = arith.cmpi ne, %convert_element_type3A_602, %cond3A_603 : i32
      scf.if %cond3A_604 {
        %add3A_641 = arith.constant 1 : i32
        %add3A_642 = arith.addi %mul3A_570, %add3A_641 : i32
        %add3A_643 = arith.constant 4 : i32
        %add3A_644 = arith.addi %add3A_642, %add3A_643 : i32
        %get3A_645 = arith.index_cast %add3A_644 : i32 to index
        %get3A_646 = arith.constant 0 : index
        %get3A_647 = tpu.vector_load %arg5[%get3A_645, %get3A_646] {strides = array<i32>} : memref<160x128xi32, #tpu.memory_space<vmem>>, vector<1x16xi32>,
        %get3A_648 = vector.shape_cast %get3A_647 : vector<1x16xi32> to vector<16xi32>
        %mul3A_649 = arith.constant 2 : i32
        %mul3A_650 = vector.broadcast %mul3A_649 : i32 to vector<16xi32>
        %mul3A_651 = arith.muli %get3A_648, %mul3A_650 : vector<16xi32>
        %add3A_652 = vector.broadcast %arg0 : i32 to vector<16xi32>
        %add3A_653 = arith.addi %mul3A_651, %add3A_652 : vector<16xi32>
        %swap3A_654 = arith.constant 1 : i32
        %swap3A_655 = arith.index_cast %swap3A_654 : i32 to index
        %swap3A_656 = arith.constant 0 : index
        %swap3A_657 = tpu.vector_load %arg7[%swap3A_655, %swap3A_656] {strides = array<i32>} : memref<4x128xi32, #tpu.memory_space<vmem>>, vector<1x16xi32>,
        %swap3A_658 = vector.shape_cast %swap3A_657 : vector<1x16xi32> to vector<16xi32>
        %swap3A_659 = vector.shape_cast %add3A_653 : vector<16xi32> to vector<1x16xi32>
        tpu.vector_store %arg7[%swap3A_655, %swap3A_656], %swap3A_659 {strides = array<i32>} : memref<4x128xi32, #tpu.memory_space<vmem>>, vector<1x16xi32>,
        %get3A_660 = arith.index_cast %add3A_644 : i32 to index
        %get3A_661 = arith.constant 16 : index
        %get3A_662 = tpu.vector_load %arg5[%get3A_660, %get3A_661] {strides = array<i32>} : memref<160x128xi32, #tpu.memory_space<vmem>>, vector<1x16xi32>,
        %get3A_663 = vector.shape_cast %get3A_662 : vector<1x16xi32> to vector<16xi32>
        %mul3A_664 = arith.constant 2 : i32
        %mul3A_665 = vector.broadcast %mul3A_664 : i32 to vector<16xi32>
        %mul3A_666 = arith.muli %get3A_663, %mul3A_665 : vector<16xi32>
        %add3A_667 = vector.broadcast %arg0 : i32 to vector<16xi32>
        %add3A_668 = arith.addi %mul3A_666, %add3A_667 : vector<16xi32>
        %swap3A_669 = arith.constant 1 : i32
        %swap3A_670 = arith.index_cast %swap3A_669 : i32 to index
        %swap3A_671 = arith.constant 16 : index
        %swap3A_672 = tpu.vector_load %arg7[%swap3A_670, %swap3A_671] {strides = array<i32>} : memref<4x128xi32, #tpu.memory_space<vmem>>, vector<1x16xi32>,
        %swap3A_673 = vector.shape_cast %swap3A_672 : vector<1x16xi32> to vector<16xi32>
        %swap3A_674 = vector.shape_cast %add3A_668 : vector<16xi32> to vector<1x16xi32>
        tpu.vector_store %arg7[%swap3A_670, %swap3A_671], %swap3A_674 {strides = array<i32>} : memref<4x128xi32, #tpu.memory_space<vmem>>, vector<1x16xi32>,
        %get3A_675 = arith.index_cast %add3A_644 : i32 to index
        %get3A_676 = arith.constant 32 : index
        %get3A_677 = tpu.vector_load %arg5[%get3A_675, %get3A_676] {strides = array<i32>} : memref<160x128xi32, #tpu.memory_space<vmem>>, vector<1x16xi32>,
        %get3A_678 = vector.shape_cast %get3A_677 : vector<1x16xi32> to vector<16xi32>
        %mul3A_679 = arith.constant 2 : i32
        %mul3A_680 = vector.broadcast %mul3A_679 : i32 to vector<16xi32>
        %mul3A_681 = arith.muli %get3A_678, %mul3A_680 : vector<16xi32>
        %add3A_682 = vector.broadcast %arg0 : i32 to vector<16xi32>
        %add3A_683 = arith.addi %mul3A_681, %add3A_682 : vector<16xi32>
        %swap3A_684 = arith.constant 1 : i32
        %swap3A_685 = arith.index_cast %swap3A_684 : i32 to index
        %swap3A_686 = arith.constant 32 : index
        %swap3A_687 = tpu.vector_load %arg7[%swap3A_685, %swap3A_686] {strides = array<i32>} : memref<4x128xi32, #tpu.memory_space<vmem>>, vector<1x16xi32>,
        %swap3A_688 = vector.shape_cast %swap3A_687 : vector<1x16xi32> to vector<16xi32>
        %swap3A_689 = vector.shape_cast %add3A_683 : vector<16xi32> to vector<1x16xi32>
        tpu.vector_store %arg7[%swap3A_685, %swap3A_686], %swap3A_689 {strides = array<i32>} : memref<4x128xi32, #tpu.memory_space<vmem>>, vector<1x16xi32>,
        %get3A_690 = arith.index_cast %add3A_644 : i32 to index
        %get3A_691 = arith.constant 48 : index
        %get3A_692 = tpu.vector_load %arg5[%get3A_690, %get3A_691] {strides = array<i32>} : memref<160x128xi32, #tpu.memory_space<vmem>>, vector<1x16xi32>,
        %get3A_693 = vector.shape_cast %get3A_692 : vector<1x16xi32> to vector<16xi32>
        %mul3A_694 = arith.constant 2 : i32
        %mul3A_695 = vector.broadcast %mul3A_694 : i32 to vector<16xi32>
        %mul3A_696 = arith.muli %get3A_693, %mul3A_695 : vector<16xi32>
        %add3A_697 = vector.broadcast %arg0 : i32 to vector<16xi32>
        %add3A_698 = arith.addi %mul3A_696, %add3A_697 : vector<16xi32>
        %swap3A_699 = arith.constant 1 : i32
        %swap3A_700 = arith.index_cast %swap3A_699 : i32 to index
        %swap3A_701 = arith.constant 48 : index
        %swap3A_702 = tpu.vector_load %arg7[%swap3A_700, %swap3A_701] {strides = array<i32>} : memref<4x128xi32, #tpu.memory_space<vmem>>, vector<1x16xi32>,
        %swap3A_703 = vector.shape_cast %swap3A_702 : vector<1x16xi32> to vector<16xi32>
        %swap3A_704 = vector.shape_cast %add3A_698 : vector<16xi32> to vector<1x16xi32>
        tpu.vector_store %arg7[%swap3A_700, %swap3A_701], %swap3A_704 {strides = array<i32>} : memref<4x128xi32, #tpu.memory_space<vmem>>, vector<1x16xi32>,
        %get3A_705 = arith.index_cast %add3A_644 : i32 to index
        %get3A_706 = arith.constant 64 : index
        %get3A_707 = tpu.vector_load %arg5[%get3A_705, %get3A_706] {strides = array<i32>} : memref<160x128xi32, #tpu.memory_space<vmem>>, vector<1x16xi32>,
        %get3A_708 = vector.shape_cast %get3A_707 : vector<1x16xi32> to vector<16xi32>
        %mul3A_709 = arith.constant 2 : i32
        %mul3A_710 = vector.broadcast %mul3A_709 : i32 to vector<16xi32>
        %mul3A_711 = arith.muli %get3A_708, %mul3A_710 : vector<16xi32>
        %add3A_712 = vector.broadcast %arg0 : i32 to vector<16xi32>
        %add3A_713 = arith.addi %mul3A_711, %add3A_712 : vector<16xi32>
        %swap3A_714 = arith.constant 1 : i32
        %swap3A_715 = arith.index_cast %swap3A_714 : i32 to index
        %swap3A_716 = arith.constant 64 : index
        %swap3A_717 = tpu.vector_load %arg7[%swap3A_715, %swap3A_716] {strides = array<i32>} : memref<4x128xi32, #tpu.memory_space<vmem>>, vector<1x16xi32>,
        %swap3A_718 = vector.shape_cast %swap3A_717 : vector<1x16xi32> to vector<16xi32>
        %swap3A_719 = vector.shape_cast %add3A_713 : vector<16xi32> to vector<1x16xi32>
        tpu.vector_store %arg7[%swap3A_715, %swap3A_716], %swap3A_719 {strides = array<i32>} : memref<4x128xi32, #tpu.memory_space<vmem>>, vector<1x16xi32>,
        %get3A_720 = arith.index_cast %add3A_644 : i32 to index
        %get3A_721 = arith.constant 80 : index
        %get3A_722 = tpu.vector_load %arg5[%get3A_720, %get3A_721] {strides = array<i32>} : memref<160x128xi32, #tpu.memory_space<vmem>>, vector<1x16xi32>,
        %get3A_723 = vector.shape_cast %get3A_722 : vector<1x16xi32> to vector<16xi32>
        %mul3A_724 = arith.constant 2 : i32
        %mul3A_725 = vector.broadcast %mul3A_724 : i32 to vector<16xi32>
        %mul3A_726 = arith.muli %get3A_723, %mul3A_725 : vector<16xi32>
        %add3A_727 = vector.broadcast %arg0 : i32 to vector<16xi32>
        %add3A_728 = arith.addi %mul3A_726, %add3A_727 : vector<16xi32>
        %swap3A_729 = arith.constant 1 : i32
        %swap3A_730 = arith.index_cast %swap3A_729 : i32 to index
        %swap3A_731 = arith.constant 80 : index
        %swap3A_732 = tpu.vector_load %arg7[%swap3A_730, %swap3A_731] {strides = array<i32>} : memref<4x128xi32, #tpu.memory_space<vmem>>, vector<1x16xi32>,
        %swap3A_733 = vector.shape_cast %swap3A_732 : vector<1x16xi32> to vector<16xi32>
        %swap3A_734 = vector.shape_cast %add3A_728 : vector<16xi32> to vector<1x16xi32>
        tpu.vector_store %arg7[%swap3A_730, %swap3A_731], %swap3A_734 {strides = array<i32>} : memref<4x128xi32, #tpu.memory_space<vmem>>, vector<1x16xi32>,
        %get3A_735 = arith.index_cast %add3A_644 : i32 to index
        %get3A_736 = arith.constant 96 : index
        %get3A_737 = tpu.vector_load %arg5[%get3A_735, %get3A_736] {strides = array<i32>} : memref<160x128xi32, #tpu.memory_space<vmem>>, vector<1x16xi32>,
        %get3A_738 = vector.shape_cast %get3A_737 : vector<1x16xi32> to vector<16xi32>
        %mul3A_739 = arith.constant 2 : i32
        %mul3A_740 = vector.broadcast %mul3A_739 : i32 to vector<16xi32>
        %mul3A_741 = arith.muli %get3A_738, %mul3A_740 : vector<16xi32>
        %add3A_742 = vector.broadcast %arg0 : i32 to vector<16xi32>
        %add3A_743 = arith.addi %mul3A_741, %add3A_742 : vector<16xi32>
        %swap3A_744 = arith.constant 1 : i32
        %swap3A_745 = arith.index_cast %swap3A_744 : i32 to index
        %swap3A_746 = arith.constant 96 : index
        %swap3A_747 = tpu.vector_load %arg7[%swap3A_745, %swap3A_746] {strides = array<i32>} : memref<4x128xi32, #tpu.memory_space<vmem>>, vector<1x16xi32>,
        %swap3A_748 = vector.shape_cast %swap3A_747 : vector<1x16xi32> to vector<16xi32>
        %swap3A_749 = vector.shape_cast %add3A_743 : vector<16xi32> to vector<1x16xi32>
        tpu.vector_store %arg7[%swap3A_745, %swap3A_746], %swap3A_749 {strides = array<i32>} : memref<4x128xi32, #tpu.memory_space<vmem>>, vector<1x16xi32>,
        %get3A_750 = arith.index_cast %add3A_644 : i32 to index
        %get3A_751 = arith.constant 112 : index
        %get3A_752 = tpu.vector_load %arg5[%get3A_750, %get3A_751] {strides = array<i32>} : memref<160x128xi32, #tpu.memory_space<vmem>>, vector<1x16xi32>,
        %get3A_753 = vector.shape_cast %get3A_752 : vector<1x16xi32> to vector<16xi32>
        %mul3A_754 = arith.constant 2 : i32
        %mul3A_755 = vector.broadcast %mul3A_754 : i32 to vector<16xi32>
        %mul3A_756 = arith.muli %get3A_753, %mul3A_755 : vector<16xi32>
        %add3A_757 = vector.broadcast %arg0 : i32 to vector<16xi32>
        %add3A_758 = arith.addi %mul3A_756, %add3A_757 : vector<16xi32>
        %swap3A_759 = arith.constant 1 : i32
        %swap3A_760 = arith.index_cast %swap3A_759 : i32 to index
        %swap3A_761 = arith.constant 112 : index
        %swap3A_762 = tpu.vector_load %arg7[%swap3A_760, %swap3A_761] {strides = array<i32>} : memref<4x128xi32, #tpu.memory_space<vmem>>, vector<1x16xi32>,
        %swap3A_763 = vector.shape_cast %swap3A_762 : vector<1x16xi32> to vector<16xi32>
        %swap3A_764 = vector.shape_cast %add3A_758 : vector<16xi32> to vector<1x16xi32>
        tpu.vector_store %arg7[%swap3A_760, %swap3A_761], %swap3A_764 {strides = array<i32>} : memref<4x128xi32, #tpu.memory_space<vmem>>, vector<1x16xi32>,
        %dma_start3A_765 = arith.constant 1 : i32
        %dma_start3A_766 = arith.constant 0 : i32
        %dma_start3A_767 = tpu.memref_slice %arg7[%dma_start3A_765, %dma_start3A_766] : memref<4x128xi32, #tpu.memory_space<vmem>> -> memref<1x128xi32, #tpu.memory_space<vmem>>
        %dma_start3A_768 = tpu.memref_squeeze %dma_start3A_767 : memref<1x128xi32, #tpu.memory_space<vmem>> -> memref<128xi32, #tpu.memory_space<vmem>>
        %dma_start3A_769 = arith.constant 0 : i32
        %dma_start3A_770 = arith.constant 0 : i32
        %dma_start3A_771 = tpu.memref_slice %arg2[%dma_start3A_769, %dma_start3A_770] : memref<20000x64xf32, #tpu.memory_space<hbm>> -> memref<20000x64xf32, #tpu.memory_space<hbm>>
        tpu.enqueue_indirect_dma source(%dma_start3A_771 : memref<20000x64xf32, #tpu.memory_space<hbm>>) target(%arg9 : memref<128x64xf32, #tpu.memory_space<vmem>>) offsets(%dma_start3A_768 : memref<128xi32, #tpu.memory_space<vmem>>) semaphore(%arg14 : memref<!tpu.dma_semaphore, #tpu.memory_space<semaphore_mem>>)
      } else {
      }
      %dma_wait3A_605 = arith.constant 2 : i32
      %dma_wait3A_606 = arith.constant 0 : i32
      %dma_wait3A_607 = tpu.memref_slice %arg7[%dma_wait3A_605, %dma_wait3A_606] : memref<4x128xi32, #tpu.memory_space<vmem>> -> memref<1x128xi32, #tpu.memory_space<vmem>>
      %dma_wait3A_608 = tpu.memref_squeeze %dma_wait3A_607 : memref<1x128xi32, #tpu.memory_space<vmem>> -> memref<128xi32, #tpu.memory_space<vmem>>
      %dma_wait3A_609 = arith.constant 0 : i32
      %dma_wait3A_610 = arith.constant 0 : i32
      %dma_wait3A_611 = tpu.memref_slice %arg2[%dma_wait3A_609, %dma_wait3A_610] : memref<20000x64xf32, #tpu.memory_space<hbm>> -> memref<20000x64xf32, #tpu.memory_space<hbm>>
      tpu.wait_indirect_dma semaphore(%arg15 : memref<!tpu.dma_semaphore, #tpu.memory_space<semaphore_mem>>) src(%dma_wait3A_611 : memref<20000x64xf32, #tpu.memory_space<hbm>>) dst(%arg10 : memref<128x64xf32, #tpu.memory_space<vmem>>)
      %add3A_612 = arith.constant 2 : i32
      %add3A_613 = arith.addi %mul3A_570, %add3A_612 : i32
      "tpu.region"() ({
        %run_scoped3A_641 = tpu.sem_alloc : memref<!tpu.dma_semaphore, #tpu.memory_space<semaphore_mem>>
        %dma_start3A_642 = arith.constant 0 : i32
        %dma_start3A_643 = tpu.memref_slice %arg6[%add3A_613, %dma_start3A_642] : memref<160x128xi32, #tpu.memory_space<vmem>> -> memref<1x128xi32, #tpu.memory_space<vmem>>
        %dma_start3A_644 = tpu.memref_squeeze %dma_start3A_643 : memref<1x128xi32, #tpu.memory_space<vmem>> -> memref<128xi32, #tpu.memory_space<vmem>>
        %dma_start3A_645 = arith.constant 0 : i32
        %dma_start3A_646 = arith.constant 0 : i32
        %dma_start3A_647 = tpu.memref_slice %arg12[%dma_start3A_645, %dma_start3A_646] : memref<10128x64xf32, #tpu.memory_space<vmem_shared>> -> memref<10128x64xf32, #tpu.memory_space<vmem_shared>>
        tpu.enqueue_indirect_dma source(%arg10 : memref<128x64xf32, #tpu.memory_space<vmem>>) target(%dma_start3A_647 : memref<10128x64xf32, #tpu.memory_space<vmem_shared>>) offsets(%dma_start3A_644 : memref<128xi32, #tpu.memory_space<vmem>>) semaphore(%run_scoped3A_641 : memref<!tpu.dma_semaphore, #tpu.memory_space<semaphore_mem>>) {add = true}
        %dma_wait3A_648 = arith.constant 0 : i32
        %dma_wait3A_649 = tpu.memref_slice %arg6[%add3A_613, %dma_wait3A_648] : memref<160x128xi32, #tpu.memory_space<vmem>> -> memref<1x128xi32, #tpu.memory_space<vmem>>
        %dma_wait3A_650 = tpu.memref_squeeze %dma_wait3A_649 : memref<1x128xi32, #tpu.memory_space<vmem>> -> memref<128xi32, #tpu.memory_space<vmem>>
        %dma_wait3A_651 = arith.constant 0 : i32
        %dma_wait3A_652 = arith.constant 0 : i32
        %dma_wait3A_653 = tpu.memref_slice %arg12[%dma_wait3A_651, %dma_wait3A_652] : memref<10128x64xf32, #tpu.memory_space<vmem_shared>> -> memref<10128x64xf32, #tpu.memory_space<vmem_shared>>
        tpu.wait_indirect_dma semaphore(%run_scoped3A_641 : memref<!tpu.dma_semaphore, #tpu.memory_space<semaphore_mem>>) src(%arg10 : memref<128x64xf32, #tpu.memory_space<vmem>>) dst(%dma_wait3A_653 : memref<10128x64xf32, #tpu.memory_space<vmem_shared>>)
        tpu.yield
      }) : () -> ()
      %add3A_614 = arith.constant 2 : i32
      %add3A_615 = arith.addi %mul3A_570, %add3A_614 : i32
      %add3A_616 = arith.constant 4 : i32
      %add3A_617 = arith.addi %add3A_615, %add3A_616 : i32
      %lt3A_618 = arith.constant 160 : i32
      %lt3A_619 = arith.cmpi slt, %add3A_617, %lt3A_618 : i32
      %convert_element_type3A_620 = arith.extui %lt3A_619 : i1 to i32
      %cond3A_621 = arith.constant 0 : i32
      %cond3A_622 = arith.cmpi ne, %convert_element_type3A_620, %cond3A_621 : i32
      scf.if %cond3A_622 {
        %add3A_641 = arith.constant 2 : i32
        %add3A_642 = arith.addi %mul3A_570, %add3A_641 : i32
        %add3A_643 = arith.constant 4 : i32
        %add3A_644 = arith.addi %add3A_642, %add3A_643 : i32
        %get3A_645 = arith.index_cast %add3A_644 : i32 to index
        %get3A_646 = arith.constant 0 : index
        %get3A_647 = tpu.vector_load %arg5[%get3A_645, %get3A_646] {strides = array<i32>} : memref<160x128xi32, #tpu.memory_space<vmem>>, vector<1x16xi32>,
        %get3A_648 = vector.shape_cast %get3A_647 : vector<1x16xi32> to vector<16xi32>
        %mul3A_649 = arith.constant 2 : i32
        %mul3A_650 = vector.broadcast %mul3A_649 : i32 to vector<16xi32>
        %mul3A_651 = arith.muli %get3A_648, %mul3A_650 : vector<16xi32>
        %add3A_652 = vector.broadcast %arg0 : i32 to vector<16xi32>
        %add3A_653 = arith.addi %mul3A_651, %add3A_652 : vector<16xi32>
        %swap3A_654 = arith.constant 2 : i32
        %swap3A_655 = arith.index_cast %swap3A_654 : i32 to index
        %swap3A_656 = arith.constant 0 : index
        %swap3A_657 = tpu.vector_load %arg7[%swap3A_655, %swap3A_656] {strides = array<i32>} : memref<4x128xi32, #tpu.memory_space<vmem>>, vector<1x16xi32>,
        %swap3A_658 = vector.shape_cast %swap3A_657 : vector<1x16xi32> to vector<16xi32>
        %swap3A_659 = vector.shape_cast %add3A_653 : vector<16xi32> to vector<1x16xi32>
        tpu.vector_store %arg7[%swap3A_655, %swap3A_656], %swap3A_659 {strides = array<i32>} : memref<4x128xi32, #tpu.memory_space<vmem>>, vector<1x16xi32>,
        %get3A_660 = arith.index_cast %add3A_644 : i32 to index
        %get3A_661 = arith.constant 16 : index
        %get3A_662 = tpu.vector_load %arg5[%get3A_660, %get3A_661] {strides = array<i32>} : memref<160x128xi32, #tpu.memory_space<vmem>>, vector<1x16xi32>,
        %get3A_663 = vector.shape_cast %get3A_662 : vector<1x16xi32> to vector<16xi32>
        %mul3A_664 = arith.constant 2 : i32
        %mul3A_665 = vector.broadcast %mul3A_664 : i32 to vector<16xi32>
        %mul3A_666 = arith.muli %get3A_663, %mul3A_665 : vector<16xi32>
        %add3A_667 = vector.broadcast %arg0 : i32 to vector<16xi32>
        %add3A_668 = arith.addi %mul3A_666, %add3A_667 : vector<16xi32>
        %swap3A_669 = arith.constant 2 : i32
        %swap3A_670 = arith.index_cast %swap3A_669 : i32 to index
        %swap3A_671 = arith.constant 16 : index
        %swap3A_672 = tpu.vector_load %arg7[%swap3A_670, %swap3A_671] {strides = array<i32>} : memref<4x128xi32, #tpu.memory_space<vmem>>, vector<1x16xi32>,
        %swap3A_673 = vector.shape_cast %swap3A_672 : vector<1x16xi32> to vector<16xi32>
        %swap3A_674 = vector.shape_cast %add3A_668 : vector<16xi32> to vector<1x16xi32>
        tpu.vector_store %arg7[%swap3A_670, %swap3A_671], %swap3A_674 {strides = array<i32>} : memref<4x128xi32, #tpu.memory_space<vmem>>, vector<1x16xi32>,
        %get3A_675 = arith.index_cast %add3A_644 : i32 to index
        %get3A_676 = arith.constant 32 : index
        %get3A_677 = tpu.vector_load %arg5[%get3A_675, %get3A_676] {strides = array<i32>} : memref<160x128xi32, #tpu.memory_space<vmem>>, vector<1x16xi32>,
        %get3A_678 = vector.shape_cast %get3A_677 : vector<1x16xi32> to vector<16xi32>
        %mul3A_679 = arith.constant 2 : i32
        %mul3A_680 = vector.broadcast %mul3A_679 : i32 to vector<16xi32>
        %mul3A_681 = arith.muli %get3A_678, %mul3A_680 : vector<16xi32>
        %add3A_682 = vector.broadcast %arg0 : i32 to vector<16xi32>
        %add3A_683 = arith.addi %mul3A_681, %add3A_682 : vector<16xi32>
        %swap3A_684 = arith.constant 2 : i32
        %swap3A_685 = arith.index_cast %swap3A_684 : i32 to index
        %swap3A_686 = arith.constant 32 : index
        %swap3A_687 = tpu.vector_load %arg7[%swap3A_685, %swap3A_686] {strides = array<i32>} : memref<4x128xi32, #tpu.memory_space<vmem>>, vector<1x16xi32>,
        %swap3A_688 = vector.shape_cast %swap3A_687 : vector<1x16xi32> to vector<16xi32>
        %swap3A_689 = vector.shape_cast %add3A_683 : vector<16xi32> to vector<1x16xi32>
        tpu.vector_store %arg7[%swap3A_685, %swap3A_686], %swap3A_689 {strides = array<i32>} : memref<4x128xi32, #tpu.memory_space<vmem>>, vector<1x16xi32>,
        %get3A_690 = arith.index_cast %add3A_644 : i32 to index
        %get3A_691 = arith.constant 48 : index
        %get3A_692 = tpu.vector_load %arg5[%get3A_690, %get3A_691] {strides = array<i32>} : memref<160x128xi32, #tpu.memory_space<vmem>>, vector<1x16xi32>,
        %get3A_693 = vector.shape_cast %get3A_692 : vector<1x16xi32> to vector<16xi32>
        %mul3A_694 = arith.constant 2 : i32
        %mul3A_695 = vector.broadcast %mul3A_694 : i32 to vector<16xi32>
        %mul3A_696 = arith.muli %get3A_693, %mul3A_695 : vector<16xi32>
        %add3A_697 = vector.broadcast %arg0 : i32 to vector<16xi32>
        %add3A_698 = arith.addi %mul3A_696, %add3A_697 : vector<16xi32>
        %swap3A_699 = arith.constant 2 : i32
        %swap3A_700 = arith.index_cast %swap3A_699 : i32 to index
        %swap3A_701 = arith.constant 48 : index
        %swap3A_702 = tpu.vector_load %arg7[%swap3A_700, %swap3A_701] {strides = array<i32>} : memref<4x128xi32, #tpu.memory_space<vmem>>, vector<1x16xi32>,
        %swap3A_703 = vector.shape_cast %swap3A_702 : vector<1x16xi32> to vector<16xi32>
        %swap3A_704 = vector.shape_cast %add3A_698 : vector<16xi32> to vector<1x16xi32>
        tpu.vector_store %arg7[%swap3A_700, %swap3A_701], %swap3A_704 {strides = array<i32>} : memref<4x128xi32, #tpu.memory_space<vmem>>, vector<1x16xi32>,
        %get3A_705 = arith.index_cast %add3A_644 : i32 to index
        %get3A_706 = arith.constant 64 : index
        %get3A_707 = tpu.vector_load %arg5[%get3A_705, %get3A_706] {strides = array<i32>} : memref<160x128xi32, #tpu.memory_space<vmem>>, vector<1x16xi32>,
        %get3A_708 = vector.shape_cast %get3A_707 : vector<1x16xi32> to vector<16xi32>
        %mul3A_709 = arith.constant 2 : i32
        %mul3A_710 = vector.broadcast %mul3A_709 : i32 to vector<16xi32>
        %mul3A_711 = arith.muli %get3A_708, %mul3A_710 : vector<16xi32>
        %add3A_712 = vector.broadcast %arg0 : i32 to vector<16xi32>
        %add3A_713 = arith.addi %mul3A_711, %add3A_712 : vector<16xi32>
        %swap3A_714 = arith.constant 2 : i32
        %swap3A_715 = arith.index_cast %swap3A_714 : i32 to index
        %swap3A_716 = arith.constant 64 : index
        %swap3A_717 = tpu.vector_load %arg7[%swap3A_715, %swap3A_716] {strides = array<i32>} : memref<4x128xi32, #tpu.memory_space<vmem>>, vector<1x16xi32>,
        %swap3A_718 = vector.shape_cast %swap3A_717 : vector<1x16xi32> to vector<16xi32>
        %swap3A_719 = vector.shape_cast %add3A_713 : vector<16xi32> to vector<1x16xi32>
        tpu.vector_store %arg7[%swap3A_715, %swap3A_716], %swap3A_719 {strides = array<i32>} : memref<4x128xi32, #tpu.memory_space<vmem>>, vector<1x16xi32>,
        %get3A_720 = arith.index_cast %add3A_644 : i32 to index
        %get3A_721 = arith.constant 80 : index
        %get3A_722 = tpu.vector_load %arg5[%get3A_720, %get3A_721] {strides = array<i32>} : memref<160x128xi32, #tpu.memory_space<vmem>>, vector<1x16xi32>,
        %get3A_723 = vector.shape_cast %get3A_722 : vector<1x16xi32> to vector<16xi32>
        %mul3A_724 = arith.constant 2 : i32
        %mul3A_725 = vector.broadcast %mul3A_724 : i32 to vector<16xi32>
        %mul3A_726 = arith.muli %get3A_723, %mul3A_725 : vector<16xi32>
        %add3A_727 = vector.broadcast %arg0 : i32 to vector<16xi32>
        %add3A_728 = arith.addi %mul3A_726, %add3A_727 : vector<16xi32>
        %swap3A_729 = arith.constant 2 : i32
        %swap3A_730 = arith.index_cast %swap3A_729 : i32 to index
        %swap3A_731 = arith.constant 80 : index
        %swap3A_732 = tpu.vector_load %arg7[%swap3A_730, %swap3A_731] {strides = array<i32>} : memref<4x128xi32, #tpu.memory_space<vmem>>, vector<1x16xi32>,
        %swap3A_733 = vector.shape_cast %swap3A_732 : vector<1x16xi32> to vector<16xi32>
        %swap3A_734 = vector.shape_cast %add3A_728 : vector<16xi32> to vector<1x16xi32>
        tpu.vector_store %arg7[%swap3A_730, %swap3A_731], %swap3A_734 {strides = array<i32>} : memref<4x128xi32, #tpu.memory_space<vmem>>, vector<1x16xi32>,
        %get3A_735 = arith.index_cast %add3A_644 : i32 to index
        %get3A_736 = arith.constant 96 : index
        %get3A_737 = tpu.vector_load %arg5[%get3A_735, %get3A_736] {strides = array<i32>} : memref<160x128xi32, #tpu.memory_space<vmem>>, vector<1x16xi32>,
        %get3A_738 = vector.shape_cast %get3A_737 : vector<1x16xi32> to vector<16xi32>
        %mul3A_739 = arith.constant 2 : i32
        %mul3A_740 = vector.broadcast %mul3A_739 : i32 to vector<16xi32>
        %mul3A_741 = arith.muli %get3A_738, %mul3A_740 : vector<16xi32>
        %add3A_742 = vector.broadcast %arg0 : i32 to vector<16xi32>
        %add3A_743 = arith.addi %mul3A_741, %add3A_742 : vector<16xi32>
        %swap3A_744 = arith.constant 2 : i32
        %swap3A_745 = arith.index_cast %swap3A_744 : i32 to index
        %swap3A_746 = arith.constant 96 : index
        %swap3A_747 = tpu.vector_load %arg7[%swap3A_745, %swap3A_746] {strides = array<i32>} : memref<4x128xi32, #tpu.memory_space<vmem>>, vector<1x16xi32>,
        %swap3A_748 = vector.shape_cast %swap3A_747 : vector<1x16xi32> to vector<16xi32>
        %swap3A_749 = vector.shape_cast %add3A_743 : vector<16xi32> to vector<1x16xi32>
        tpu.vector_store %arg7[%swap3A_745, %swap3A_746], %swap3A_749 {strides = array<i32>} : memref<4x128xi32, #tpu.memory_space<vmem>>, vector<1x16xi32>,
        %get3A_750 = arith.index_cast %add3A_644 : i32 to index
        %get3A_751 = arith.constant 112 : index
        %get3A_752 = tpu.vector_load %arg5[%get3A_750, %get3A_751] {strides = array<i32>} : memref<160x128xi32, #tpu.memory_space<vmem>>, vector<1x16xi32>,
        %get3A_753 = vector.shape_cast %get3A_752 : vector<1x16xi32> to vector<16xi32>
        %mul3A_754 = arith.constant 2 : i32
        %mul3A_755 = vector.broadcast %mul3A_754 : i32 to vector<16xi32>
        %mul3A_756 = arith.muli %get3A_753, %mul3A_755 : vector<16xi32>
        %add3A_757 = vector.broadcast %arg0 : i32 to vector<16xi32>
        %add3A_758 = arith.addi %mul3A_756, %add3A_757 : vector<16xi32>
        %swap3A_759 = arith.constant 2 : i32
        %swap3A_760 = arith.index_cast %swap3A_759 : i32 to index
        %swap3A_761 = arith.constant 112 : index
        %swap3A_762 = tpu.vector_load %arg7[%swap3A_760, %swap3A_761] {strides = array<i32>} : memref<4x128xi32, #tpu.memory_space<vmem>>, vector<1x16xi32>,
        %swap3A_763 = vector.shape_cast %swap3A_762 : vector<1x16xi32> to vector<16xi32>
        %swap3A_764 = vector.shape_cast %add3A_758 : vector<16xi32> to vector<1x16xi32>
        tpu.vector_store %arg7[%swap3A_760, %swap3A_761], %swap3A_764 {strides = array<i32>} : memref<4x128xi32, #tpu.memory_space<vmem>>, vector<1x16xi32>,
        %dma_start3A_765 = arith.constant 2 : i32
        %dma_start3A_766 = arith.constant 0 : i32
        %dma_start3A_767 = tpu.memref_slice %arg7[%dma_start3A_765, %dma_start3A_766] : memref<4x128xi32, #tpu.memory_space<vmem>> -> memref<1x128xi32, #tpu.memory_space<vmem>>
        %dma_start3A_768 = tpu.memref_squeeze %dma_start3A_767 : memref<1x128xi32, #tpu.memory_space<vmem>> -> memref<128xi32, #tpu.memory_space<vmem>>
        %dma_start3A_769 = arith.constant 0 : i32
        %dma_start3A_770 = arith.constant 0 : i32
        %dma_start3A_771 = tpu.memref_slice %arg2[%dma_start3A_769, %dma_start3A_770] : memref<20000x64xf32, #tpu.memory_space<hbm>> -> memref<20000x64xf32, #tpu.memory_space<hbm>>
        tpu.enqueue_indirect_dma source(%dma_start3A_771 : memref<20000x64xf32, #tpu.memory_space<hbm>>) target(%arg10 : memref<128x64xf32, #tpu.memory_space<vmem>>) offsets(%dma_start3A_768 : memref<128xi32, #tpu.memory_space<vmem>>) semaphore(%arg15 : memref<!tpu.dma_semaphore, #tpu.memory_space<semaphore_mem>>)
      } else {
      }
      %dma_wait3A_623 = arith.constant 3 : i32
      %dma_wait3A_624 = arith.constant 0 : i32
      %dma_wait3A_625 = tpu.memref_slice %arg7[%dma_wait3A_623, %dma_wait3A_624] : memref<4x128xi32, #tpu.memory_space<vmem>> -> memref<1x128xi32, #tpu.memory_space<vmem>>
      %dma_wait3A_626 = tpu.memref_squeeze %dma_wait3A_625 : memref<1x128xi32, #tpu.memory_space<vmem>> -> memref<128xi32, #tpu.memory_space<vmem>>
      %dma_wait3A_627 = arith.constant 0 : i32
      %dma_wait3A_628 = arith.constant 0 : i32
      %dma_wait3A_629 = tpu.memref_slice %arg2[%dma_wait3A_627, %dma_wait3A_628] : memref<20000x64xf32, #tpu.memory_space<hbm>> -> memref<20000x64xf32, #tpu.memory_space<hbm>>
      tpu.wait_indirect_dma semaphore(%arg16 : memref<!tpu.dma_semaphore, #tpu.memory_space<semaphore_mem>>) src(%dma_wait3A_629 : memref<20000x64xf32, #tpu.memory_space<hbm>>) dst(%arg11 : memref<128x64xf32, #tpu.memory_space<vmem>>)
      %add3A_630 = arith.constant 3 : i32
      %add3A_631 = arith.addi %mul3A_570, %add3A_630 : i32
      "tpu.region"() ({
        %run_scoped3A_641 = tpu.sem_alloc : memref<!tpu.dma_semaphore, #tpu.memory_space<semaphore_mem>>
        %dma_start3A_642 = arith.constant 0 : i32
        %dma_start3A_643 = tpu.memref_slice %arg6[%add3A_631, %dma_start3A_642] : memref<160x128xi32, #tpu.memory_space<vmem>> -> memref<1x128xi32, #tpu.memory_space<vmem>>
        %dma_start3A_644 = tpu.memref_squeeze %dma_start3A_643 : memref<1x128xi32, #tpu.memory_space<vmem>> -> memref<128xi32, #tpu.memory_space<vmem>>
        %dma_start3A_645 = arith.constant 0 : i32
        %dma_start3A_646 = arith.constant 0 : i32
        %dma_start3A_647 = tpu.memref_slice %arg12[%dma_start3A_645, %dma_start3A_646] : memref<10128x64xf32, #tpu.memory_space<vmem_shared>> -> memref<10128x64xf32, #tpu.memory_space<vmem_shared>>
        tpu.enqueue_indirect_dma source(%arg11 : memref<128x64xf32, #tpu.memory_space<vmem>>) target(%dma_start3A_647 : memref<10128x64xf32, #tpu.memory_space<vmem_shared>>) offsets(%dma_start3A_644 : memref<128xi32, #tpu.memory_space<vmem>>) semaphore(%run_scoped3A_641 : memref<!tpu.dma_semaphore, #tpu.memory_space<semaphore_mem>>) {add = true}
        %dma_wait3A_648 = arith.constant 0 : i32
        %dma_wait3A_649 = tpu.memref_slice %arg6[%add3A_631, %dma_wait3A_648] : memref<160x128xi32, #tpu.memory_space<vmem>> -> memref<1x128xi32, #tpu.memory_space<vmem>>
        %dma_wait3A_650 = tpu.memref_squeeze %dma_wait3A_649 : memref<1x128xi32, #tpu.memory_space<vmem>> -> memref<128xi32, #tpu.memory_space<vmem>>
        %dma_wait3A_651 = arith.constant 0 : i32
        %dma_wait3A_652 = arith.constant 0 : i32
        %dma_wait3A_653 = tpu.memref_slice %arg12[%dma_wait3A_651, %dma_wait3A_652] : memref<10128x64xf32, #tpu.memory_space<vmem_shared>> -> memref<10128x64xf32, #tpu.memory_space<vmem_shared>>
        tpu.wait_indirect_dma semaphore(%run_scoped3A_641 : memref<!tpu.dma_semaphore, #tpu.memory_space<semaphore_mem>>) src(%arg11 : memref<128x64xf32, #tpu.memory_space<vmem>>) dst(%dma_wait3A_653 : memref<10128x64xf32, #tpu.memory_space<vmem_shared>>)
        tpu.yield
      }) : () -> ()
      %add3A_632 = arith.constant 3 : i32
      %add3A_633 = arith.addi %mul3A_570, %add3A_632 : i32
      %add3A_634 = arith.constant 4 : i32
      %add3A_635 = arith.addi %add3A_633, %add3A_634 : i32
      %lt3A_636 = arith.constant 160 : i32
      %lt3A_637 = arith.cmpi slt, %add3A_635, %lt3A_636 : i32
      %convert_element_type3A_638 = arith.extui %lt3A_637 : i1 to i32
      %cond3A_639 = arith.constant 0 : i32
      %cond3A_640 = arith.cmpi ne, %convert_element_type3A_638, %cond3A_639 : i32
      scf.if %cond3A_640 {
        %add3A_641 = arith.constant 3 : i32
        %add3A_642 = arith.addi %mul3A_570, %add3A_641 : i32
        %add3A_643 = arith.constant 4 : i32
        %add3A_644 = arith.addi %add3A_642, %add3A_643 : i32
        %get3A_645 = arith.index_cast %add3A_644 : i32 to index
        %get3A_646 = arith.constant 0 : index
        %get3A_647 = tpu.vector_load %arg5[%get3A_645, %get3A_646] {strides = array<i32>} : memref<160x128xi32, #tpu.memory_space<vmem>>, vector<1x16xi32>,
        %get3A_648 = vector.shape_cast %get3A_647 : vector<1x16xi32> to vector<16xi32>
        %mul3A_649 = arith.constant 2 : i32
        %mul3A_650 = vector.broadcast %mul3A_649 : i32 to vector<16xi32>
        %mul3A_651 = arith.muli %get3A_648, %mul3A_650 : vector<16xi32>
        %add3A_652 = vector.broadcast %arg0 : i32 to vector<16xi32>
        %add3A_653 = arith.addi %mul3A_651, %add3A_652 : vector<16xi32>
        %swap3A_654 = arith.constant 3 : i32
        %swap3A_655 = arith.index_cast %swap3A_654 : i32 to index
        %swap3A_656 = arith.constant 0 : index
        %swap3A_657 = tpu.vector_load %arg7[%swap3A_655, %swap3A_656] {strides = array<i32>} : memref<4x128xi32, #tpu.memory_space<vmem>>, vector<1x16xi32>,
        %swap3A_658 = vector.shape_cast %swap3A_657 : vector<1x16xi32> to vector<16xi32>
        %swap3A_659 = vector.shape_cast %add3A_653 : vector<16xi32> to vector<1x16xi32>
        tpu.vector_store %arg7[%swap3A_655, %swap3A_656], %swap3A_659 {strides = array<i32>} : memref<4x128xi32, #tpu.memory_space<vmem>>, vector<1x16xi32>,
        %get3A_660 = arith.index_cast %add3A_644 : i32 to index
        %get3A_661 = arith.constant 16 : index
        %get3A_662 = tpu.vector_load %arg5[%get3A_660, %get3A_661] {strides = array<i32>} : memref<160x128xi32, #tpu.memory_space<vmem>>, vector<1x16xi32>,
        %get3A_663 = vector.shape_cast %get3A_662 : vector<1x16xi32> to vector<16xi32>
        %mul3A_664 = arith.constant 2 : i32
        %mul3A_665 = vector.broadcast %mul3A_664 : i32 to vector<16xi32>
        %mul3A_666 = arith.muli %get3A_663, %mul3A_665 : vector<16xi32>
        %add3A_667 = vector.broadcast %arg0 : i32 to vector<16xi32>
        %add3A_668 = arith.addi %mul3A_666, %add3A_667 : vector<16xi32>
        %swap3A_669 = arith.constant 3 : i32
        %swap3A_670 = arith.index_cast %swap3A_669 : i32 to index
        %swap3A_671 = arith.constant 16 : index
        %swap3A_672 = tpu.vector_load %arg7[%swap3A_670, %swap3A_671] {strides = array<i32>} : memref<4x128xi32, #tpu.memory_space<vmem>>, vector<1x16xi32>,
        %swap3A_673 = vector.shape_cast %swap3A_672 : vector<1x16xi32> to vector<16xi32>
        %swap3A_674 = vector.shape_cast %add3A_668 : vector<16xi32> to vector<1x16xi32>
        tpu.vector_store %arg7[%swap3A_670, %swap3A_671], %swap3A_674 {strides = array<i32>} : memref<4x128xi32, #tpu.memory_space<vmem>>, vector<1x16xi32>,
        %get3A_675 = arith.index_cast %add3A_644 : i32 to index
        %get3A_676 = arith.constant 32 : index
        %get3A_677 = tpu.vector_load %arg5[%get3A_675, %get3A_676] {strides = array<i32>} : memref<160x128xi32, #tpu.memory_space<vmem>>, vector<1x16xi32>,
        %get3A_678 = vector.shape_cast %get3A_677 : vector<1x16xi32> to vector<16xi32>
        %mul3A_679 = arith.constant 2 : i32
        %mul3A_680 = vector.broadcast %mul3A_679 : i32 to vector<16xi32>
        %mul3A_681 = arith.muli %get3A_678, %mul3A_680 : vector<16xi32>
        %add3A_682 = vector.broadcast %arg0 : i32 to vector<16xi32>
        %add3A_683 = arith.addi %mul3A_681, %add3A_682 : vector<16xi32>
        %swap3A_684 = arith.constant 3 : i32
        %swap3A_685 = arith.index_cast %swap3A_684 : i32 to index
        %swap3A_686 = arith.constant 32 : index
        %swap3A_687 = tpu.vector_load %arg7[%swap3A_685, %swap3A_686] {strides = array<i32>} : memref<4x128xi32, #tpu.memory_space<vmem>>, vector<1x16xi32>,
        %swap3A_688 = vector.shape_cast %swap3A_687 : vector<1x16xi32> to vector<16xi32>
        %swap3A_689 = vector.shape_cast %add3A_683 : vector<16xi32> to vector<1x16xi32>
        tpu.vector_store %arg7[%swap3A_685, %swap3A_686], %swap3A_689 {strides = array<i32>} : memref<4x128xi32, #tpu.memory_space<vmem>>, vector<1x16xi32>,
        %get3A_690 = arith.index_cast %add3A_644 : i32 to index
        %get3A_691 = arith.constant 48 : index
        %get3A_692 = tpu.vector_load %arg5[%get3A_690, %get3A_691] {strides = array<i32>} : memref<160x128xi32, #tpu.memory_space<vmem>>, vector<1x16xi32>,
        %get3A_693 = vector.shape_cast %get3A_692 : vector<1x16xi32> to vector<16xi32>
        %mul3A_694 = arith.constant 2 : i32
        %mul3A_695 = vector.broadcast %mul3A_694 : i32 to vector<16xi32>
        %mul3A_696 = arith.muli %get3A_693, %mul3A_695 : vector<16xi32>
        %add3A_697 = vector.broadcast %arg0 : i32 to vector<16xi32>
        %add3A_698 = arith.addi %mul3A_696, %add3A_697 : vector<16xi32>
        %swap3A_699 = arith.constant 3 : i32
        %swap3A_700 = arith.index_cast %swap3A_699 : i32 to index
        %swap3A_701 = arith.constant 48 : index
        %swap3A_702 = tpu.vector_load %arg7[%swap3A_700, %swap3A_701] {strides = array<i32>} : memref<4x128xi32, #tpu.memory_space<vmem>>, vector<1x16xi32>,
        %swap3A_703 = vector.shape_cast %swap3A_702 : vector<1x16xi32> to vector<16xi32>
        %swap3A_704 = vector.shape_cast %add3A_698 : vector<16xi32> to vector<1x16xi32>
        tpu.vector_store %arg7[%swap3A_700, %swap3A_701], %swap3A_704 {strides = array<i32>} : memref<4x128xi32, #tpu.memory_space<vmem>>, vector<1x16xi32>,
        %get3A_705 = arith.index_cast %add3A_644 : i32 to index
        %get3A_706 = arith.constant 64 : index
        %get3A_707 = tpu.vector_load %arg5[%get3A_705, %get3A_706] {strides = array<i32>} : memref<160x128xi32, #tpu.memory_space<vmem>>, vector<1x16xi32>,
        %get3A_708 = vector.shape_cast %get3A_707 : vector<1x16xi32> to vector<16xi32>
        %mul3A_709 = arith.constant 2 : i32
        %mul3A_710 = vector.broadcast %mul3A_709 : i32 to vector<16xi32>
        %mul3A_711 = arith.muli %get3A_708, %mul3A_710 : vector<16xi32>
        %add3A_712 = vector.broadcast %arg0 : i32 to vector<16xi32>
        %add3A_713 = arith.addi %mul3A_711, %add3A_712 : vector<16xi32>
        %swap3A_714 = arith.constant 3 : i32
        %swap3A_715 = arith.index_cast %swap3A_714 : i32 to index
        %swap3A_716 = arith.constant 64 : index
        %swap3A_717 = tpu.vector_load %arg7[%swap3A_715, %swap3A_716] {strides = array<i32>} : memref<4x128xi32, #tpu.memory_space<vmem>>, vector<1x16xi32>,
        %swap3A_718 = vector.shape_cast %swap3A_717 : vector<1x16xi32> to vector<16xi32>
        %swap3A_719 = vector.shape_cast %add3A_713 : vector<16xi32> to vector<1x16xi32>
        tpu.vector_store %arg7[%swap3A_715, %swap3A_716], %swap3A_719 {strides = array<i32>} : memref<4x128xi32, #tpu.memory_space<vmem>>, vector<1x16xi32>,
        %get3A_720 = arith.index_cast %add3A_644 : i32 to index
        %get3A_721 = arith.constant 80 : index
        %get3A_722 = tpu.vector_load %arg5[%get3A_720, %get3A_721] {strides = array<i32>} : memref<160x128xi32, #tpu.memory_space<vmem>>, vector<1x16xi32>,
        %get3A_723 = vector.shape_cast %get3A_722 : vector<1x16xi32> to vector<16xi32>
        %mul3A_724 = arith.constant 2 : i32
        %mul3A_725 = vector.broadcast %mul3A_724 : i32 to vector<16xi32>
        %mul3A_726 = arith.muli %get3A_723, %mul3A_725 : vector<16xi32>
        %add3A_727 = vector.broadcast %arg0 : i32 to vector<16xi32>
        %add3A_728 = arith.addi %mul3A_726, %add3A_727 : vector<16xi32>
        %swap3A_729 = arith.constant 3 : i32
        %swap3A_730 = arith.index_cast %swap3A_729 : i32 to index
        %swap3A_731 = arith.constant 80 : index
        %swap3A_732 = tpu.vector_load %arg7[%swap3A_730, %swap3A_731] {strides = array<i32>} : memref<4x128xi32, #tpu.memory_space<vmem>>, vector<1x16xi32>,
        %swap3A_733 = vector.shape_cast %swap3A_732 : vector<1x16xi32> to vector<16xi32>
        %swap3A_734 = vector.shape_cast %add3A_728 : vector<16xi32> to vector<1x16xi32>
        tpu.vector_store %arg7[%swap3A_730, %swap3A_731], %swap3A_734 {strides = array<i32>} : memref<4x128xi32, #tpu.memory_space<vmem>>, vector<1x16xi32>,
        %get3A_735 = arith.index_cast %add3A_644 : i32 to index
        %get3A_736 = arith.constant 96 : index
        %get3A_737 = tpu.vector_load %arg5[%get3A_735, %get3A_736] {strides = array<i32>} : memref<160x128xi32, #tpu.memory_space<vmem>>, vector<1x16xi32>,
        %get3A_738 = vector.shape_cast %get3A_737 : vector<1x16xi32> to vector<16xi32>
        %mul3A_739 = arith.constant 2 : i32
        %mul3A_740 = vector.broadcast %mul3A_739 : i32 to vector<16xi32>
        %mul3A_741 = arith.muli %get3A_738, %mul3A_740 : vector<16xi32>
        %add3A_742 = vector.broadcast %arg0 : i32 to vector<16xi32>
        %add3A_743 = arith.addi %mul3A_741, %add3A_742 : vector<16xi32>
        %swap3A_744 = arith.constant 3 : i32
        %swap3A_745 = arith.index_cast %swap3A_744 : i32 to index
        %swap3A_746 = arith.constant 96 : index
        %swap3A_747 = tpu.vector_load %arg7[%swap3A_745, %swap3A_746] {strides = array<i32>} : memref<4x128xi32, #tpu.memory_space<vmem>>, vector<1x16xi32>,
        %swap3A_748 = vector.shape_cast %swap3A_747 : vector<1x16xi32> to vector<16xi32>
        %swap3A_749 = vector.shape_cast %add3A_743 : vector<16xi32> to vector<1x16xi32>
        tpu.vector_store %arg7[%swap3A_745, %swap3A_746], %swap3A_749 {strides = array<i32>} : memref<4x128xi32, #tpu.memory_space<vmem>>, vector<1x16xi32>,
        %get3A_750 = arith.index_cast %add3A_644 : i32 to index
        %get3A_751 = arith.constant 112 : index
        %get3A_752 = tpu.vector_load %arg5[%get3A_750, %get3A_751] {strides = array<i32>} : memref<160x128xi32, #tpu.memory_space<vmem>>, vector<1x16xi32>,
        %get3A_753 = vector.shape_cast %get3A_752 : vector<1x16xi32> to vector<16xi32>
        %mul3A_754 = arith.constant 2 : i32
        %mul3A_755 = vector.broadcast %mul3A_754 : i32 to vector<16xi32>
        %mul3A_756 = arith.muli %get3A_753, %mul3A_755 : vector<16xi32>
        %add3A_757 = vector.broadcast %arg0 : i32 to vector<16xi32>
        %add3A_758 = arith.addi %mul3A_756, %add3A_757 : vector<16xi32>
        %swap3A_759 = arith.constant 3 : i32
        %swap3A_760 = arith.index_cast %swap3A_759 : i32 to index
        %swap3A_761 = arith.constant 112 : index
        %swap3A_762 = tpu.vector_load %arg7[%swap3A_760, %swap3A_761] {strides = array<i32>} : memref<4x128xi32, #tpu.memory_space<vmem>>, vector<1x16xi32>,
        %swap3A_763 = vector.shape_cast %swap3A_762 : vector<1x16xi32> to vector<16xi32>
        %swap3A_764 = vector.shape_cast %add3A_758 : vector<16xi32> to vector<1x16xi32>
        tpu.vector_store %arg7[%swap3A_760, %swap3A_761], %swap3A_764 {strides = array<i32>} : memref<4x128xi32, #tpu.memory_space<vmem>>, vector<1x16xi32>,
        %dma_start3A_765 = arith.constant 3 : i32
        %dma_start3A_766 = arith.constant 0 : i32
        %dma_start3A_767 = tpu.memref_slice %arg7[%dma_start3A_765, %dma_start3A_766] : memref<4x128xi32, #tpu.memory_space<vmem>> -> memref<1x128xi32, #tpu.memory_space<vmem>>
        %dma_start3A_768 = tpu.memref_squeeze %dma_start3A_767 : memref<1x128xi32, #tpu.memory_space<vmem>> -> memref<128xi32, #tpu.memory_space<vmem>>
        %dma_start3A_769 = arith.constant 0 : i32
        %dma_start3A_770 = arith.constant 0 : i32
        %dma_start3A_771 = tpu.memref_slice %arg2[%dma_start3A_769, %dma_start3A_770] : memref<20000x64xf32, #tpu.memory_space<hbm>> -> memref<20000x64xf32, #tpu.memory_space<hbm>>
        tpu.enqueue_indirect_dma source(%dma_start3A_771 : memref<20000x64xf32, #tpu.memory_space<hbm>>) target(%arg11 : memref<128x64xf32, #tpu.memory_space<vmem>>) offsets(%dma_start3A_768 : memref<128xi32, #tpu.memory_space<vmem>>) semaphore(%arg16 : memref<!tpu.dma_semaphore, #tpu.memory_space<semaphore_mem>>)
      } else {
      }
    }
    %scan3A_561 = arith.constant 40 : i32
    %barrier3A_562 = arith.constant 0 : index
    tpu.barrier barrier_id(%barrier3A_562)
    "tpu.region"() ({
      %run_scoped3A_568 = tpu.sem_alloc : memref<!tpu.dma_semaphore, #tpu.memory_space<semaphore_mem>>
      %dma_start3A_569 = arith.constant 0 : i32
      %dma_start3A_570 = tpu.memref_slice %arg4[%arg0, %mul3A_1, %dma_start3A_569] : memref<2x10000x64xf32, #tpu.memory_space<hbm>> -> memref<1x624x64xf32, #tpu.memory_space<hbm>>
      %dma_start3A_571 = tpu.memref_squeeze %dma_start3A_570 : memref<1x624x64xf32, #tpu.memory_space<hbm>> -> memref<624x64xf32, #tpu.memory_space<hbm>>
      %dma_start3A_572 = arith.constant 0 : i32
      %dma_start3A_573 = tpu.memref_slice %arg12[%mul3A_1, %dma_start3A_572] : memref<10128x64xf32, #tpu.memory_space<vmem_shared>> -> memref<624x64xf32, #tpu.memory_space<vmem_shared>>
      tpu.enqueue_dma source(%dma_start3A_573 : memref<624x64xf32, #tpu.memory_space<vmem_shared>>) target(%dma_start3A_571 : memref<624x64xf32, #tpu.memory_space<hbm>>) target_semaphore(%run_scoped3A_568 : memref<!tpu.dma_semaphore, #tpu.memory_space<semaphore_mem>>)
      %dma_wait3A = arith.constant 0 : i32
      %dma_wait3A_574 = tpu.memref_slice %arg4[%arg0, %mul3A_1, %dma_wait3A] : memref<2x10000x64xf32, #tpu.memory_space<hbm>> -> memref<1x624x64xf32, #tpu.memory_space<hbm>>
      %dma_wait3A_575 = tpu.memref_squeeze %dma_wait3A_574 : memref<1x624x64xf32, #tpu.memory_space<hbm>> -> memref<624x64xf32, #tpu.memory_space<hbm>>
      %dma_wait3A_576 = arith.constant 0 : i32
      %dma_wait3A_577 = tpu.memref_slice %arg12[%mul3A_1, %dma_wait3A_576] : memref<10128x64xf32, #tpu.memory_space<vmem_shared>> -> memref<624x64xf32, #tpu.memory_space<vmem_shared>>
      tpu.wait_dma2 semaphore(%run_scoped3A_568 : memref<!tpu.dma_semaphore, #tpu.memory_space<semaphore_mem>>) src(%dma_wait3A_577 : memref<624x64xf32, #tpu.memory_space<vmem_shared>>) dst(%dma_wait3A_575 : memref<624x64xf32, #tpu.memory_space<hbm>>)
      tpu.yield
    }) : () -> ()
    %eq3A_563 = arith.constant 0 : i32
    %eq3A_564 = arith.cmpi eq, %arg1, %eq3A_563 : i32
    %convert_element_type3A_565 = arith.extui %eq3A_564 : i1 to i32
    %cond3A_566 = arith.constant 0 : i32
    %cond3A_567 = arith.cmpi ne, %convert_element_type3A_565, %cond3A_566 : i32
    scf.if %cond3A_567 {
      "tpu.region"() ({
        %run_scoped3A_568 = tpu.sem_alloc : memref<!tpu.dma_semaphore, #tpu.memory_space<semaphore_mem>>
        %dma_start3A_569 = arith.constant 9984 : i32
        %dma_start3A_570 = arith.constant 0 : i32
        %dma_start3A_571 = tpu.memref_slice %arg4[%arg0, %dma_start3A_569, %dma_start3A_570] : memref<2x10000x64xf32, #tpu.memory_space<hbm>> -> memref<1x16x64xf32, #tpu.memory_space<hbm>>
        %dma_start3A_572 = tpu.memref_squeeze %dma_start3A_571 : memref<1x16x64xf32, #tpu.memory_space<hbm>> -> memref<16x64xf32, #tpu.memory_space<hbm>>
        %dma_start3A_573 = arith.constant 9984 : i32
        %dma_start3A_574 = arith.constant 0 : i32
        %dma_start3A_575 = tpu.memref_slice %arg12[%dma_start3A_573, %dma_start3A_574] : memref<10128x64xf32, #tpu.memory_space<vmem_shared>> -> memref<16x64xf32, #tpu.memory_space<vmem_shared>>
        tpu.enqueue_dma source(%dma_start3A_575 : memref<16x64xf32, #tpu.memory_space<vmem_shared>>) target(%dma_start3A_572 : memref<16x64xf32, #tpu.memory_space<hbm>>) target_semaphore(%run_scoped3A_568 : memref<!tpu.dma_semaphore, #tpu.memory_space<semaphore_mem>>)
        %dma_wait3A = arith.constant 9984 : i32
        %dma_wait3A_576 = arith.constant 0 : i32
        %dma_wait3A_577 = tpu.memref_slice %arg4[%arg0, %dma_wait3A, %dma_wait3A_576] : memref<2x10000x64xf32, #tpu.memory_space<hbm>> -> memref<1x16x64xf32, #tpu.memory_space<hbm>>
        %dma_wait3A_578 = tpu.memref_squeeze %dma_wait3A_577 : memref<1x16x64xf32, #tpu.memory_space<hbm>> -> memref<16x64xf32, #tpu.memory_space<hbm>>
        %dma_wait3A_579 = arith.constant 9984 : i32
        %dma_wait3A_580 = arith.constant 0 : i32
        %dma_wait3A_581 = tpu.memref_slice %arg12[%dma_wait3A_579, %dma_wait3A_580] : memref<10128x64xf32, #tpu.memory_space<vmem_shared>> -> memref<16x64xf32, #tpu.memory_space<vmem_shared>>
        tpu.wait_dma2 semaphore(%run_scoped3A_568 : memref<!tpu.dma_semaphore, #tpu.memory_space<semaphore_mem>>) src(%dma_wait3A_581 : memref<16x64xf32, #tpu.memory_space<vmem_shared>>) dst(%dma_wait3A_578 : memref<16x64xf32, #tpu.memory_space<hbm>>)
        tpu.yield
      }) : () -> ()
    } else {
    }
    return
  }
}

module attributes {stable_mosaic.version = 14 : i64} {
  func.func @_tc_head_body(%arg0: i32, %arg1: memref<400x128xf32, #tpu.memory_space<vmem>>, %arg2: memref<400x64xf32, #tpu.memory_space<vmem>>, %arg3: memref<400x64xf32, #tpu.memory_space<vmem>>, %arg4: memref<1x1x400xi32, #tpu.memory_space<vmem>>, %arg5: memref<128x256xbf16, #tpu.memory_space<vmem>>, %arg6: memref<1x256xf32, #tpu.memory_space<vmem>>, %arg7: memref<256x256xbf16, #tpu.memory_space<vmem>>, %arg8: memref<1x256xf32, #tpu.memory_space<vmem>>, %arg9: memref<1x256xf32, #tpu.memory_space<vmem>>, %arg10: memref<1x256xf32, #tpu.memory_space<vmem>>, %arg11: memref<256x256xf32, #tpu.memory_space<vmem>>, %arg12: memref<1x256xf32, #tpu.memory_space<vmem>>, %arg13: memref<256x128xf32, #tpu.memory_space<vmem>>, %arg14: memref<1x128xf32, #tpu.memory_space<vmem>>, %arg15: memref<128x128xf32, #tpu.memory_space<vmem>>, %arg16: memref<128x256xf32, #tpu.memory_space<vmem>>) attributes {dimension_semantics = [#tpu.dimension_semantics<arbitrary>], iteration_bounds = array<i64: 25>, scalar_prefetch = 0 : i64, scratch_operands = 1 : i64, tpu.core_type = #tpu.core_type<tc>, window_params = [{transform_indices = @transform_0, window_bounds = array<i64: 400, 128>}, {transform_indices = @transform_1, window_bounds = array<i64: 400, 64>}, {transform_indices = @transform_2, window_bounds = array<i64: 400, 64>}, {transform_indices = @transform_3, window_bounds = array<i64: 1, 1, 400>}, {pipeline_mode = #tpu.pipeline_mode<synchronous>, transform_indices = @transform_4, window_bounds = array<i64: 128, 256>}, {pipeline_mode = #tpu.pipeline_mode<synchronous>, transform_indices = @transform_5, window_bounds = array<i64: 1, 256>}, {pipeline_mode = #tpu.pipeline_mode<synchronous>, transform_indices = @transform_6, window_bounds = array<i64: 256, 256>}, {pipeline_mode = #tpu.pipeline_mode<synchronous>, transform_indices = @transform_7, window_bounds = array<i64: 1, 256>}, {pipeline_mode = #tpu.pipeline_mode<synchronous>, transform_indices = @transform_8, window_bounds = array<i64: 1, 256>}, {pipeline_mode = #tpu.pipeline_mode<synchronous>, transform_indices = @transform_9, window_bounds = array<i64: 1, 256>}, {pipeline_mode = #tpu.pipeline_mode<synchronous>, transform_indices = @transform_10, window_bounds = array<i64: 256, 256>}, {pipeline_mode = #tpu.pipeline_mode<synchronous>, transform_indices = @transform_11, window_bounds = array<i64: 1, 256>}, {pipeline_mode = #tpu.pipeline_mode<synchronous>, transform_indices = @transform_12, window_bounds = array<i64: 256, 128>}, {pipeline_mode = #tpu.pipeline_mode<synchronous>, transform_indices = @transform_13, window_bounds = array<i64: 1, 128>}, {pipeline_mode = #tpu.pipeline_mode<synchronous>, transform_indices = @transform_14, window_bounds = array<i64: 128, 128>}]} {
    %eq3A = arith.constant 0 : i32
    %eq3A_0 = arith.cmpi eq, %arg0, %eq3A : i32
    %convert_element_type3A = arith.extui %eq3A_0 : i1 to i32
    %cond3A = arith.constant 0 : i32
    %cond3A_1 = arith.cmpi ne, %convert_element_type3A, %cond3A : i32
    scf.if %cond3A_1 {
      %broadcast_in_dim3A_71 = arith.constant 0.000000e+00 : f32
      %broadcast_in_dim3A_72 = vector.broadcast %broadcast_in_dim3A_71 : f32 to vector<128x256xf32>
      %swap3A_73 = arith.constant 0 : index
      %swap3A_74 = arith.constant 0 : index
      %swap3A_75 = vector.load %arg16[%swap3A_73, %swap3A_74] : memref<128x256xf32, #tpu.memory_space<vmem>>, vector<128x256xf32>
      tpu.vector_store %arg16[%swap3A_73, %swap3A_74], %broadcast_in_dim3A_72 {strides = array<i32>} : memref<128x256xf32, #tpu.memory_space<vmem>>, vector<128x256xf32>,
    } else {
    }
    %get3A = arith.constant 0 : index
    %get3A_2 = arith.constant 0 : index
    %get3A_3 = vector.load %arg1[%get3A, %get3A_2] : memref<400x128xf32, #tpu.memory_space<vmem>>, vector<400x128xf32>
    %get3A_4 = arith.constant 0 : index
    %get3A_5 = arith.constant 0 : index
    %get3A_6 = vector.load %arg2[%get3A_4, %get3A_5] : memref<400x64xf32, #tpu.memory_space<vmem>>, vector<400x64xf32>
    %get3A_7 = arith.constant 0 : index
    %get3A_8 = arith.constant 0 : index
    %get3A_9 = vector.load %arg3[%get3A_7, %get3A_8] : memref<400x64xf32, #tpu.memory_space<vmem>>, vector<400x64xf32>
    %concatenate3A = tpu.concatenate %get3A_6, %get3A_9 in 1 : vector<400x64xf32>, vector<400x64xf32> -> vector<400x128xf32>
    %add3A = arith.addf %get3A_3, %concatenate3A : vector<400x128xf32>
    %convert_element_type3A_10 = arith.truncf %add3A : vector<400x128xf32> to vector<400x128xbf16>
    %get3A_11 = arith.constant 0 : index
    %get3A_12 = arith.constant 0 : index
    %get3A_13 = vector.load %arg5[%get3A_11, %get3A_12] : memref<128x256xbf16, #tpu.memory_space<vmem>>, vector<128x256xbf16>
    %dot_general3A = arith.constant dense<0.000000e+00> : vector<400x256xf32>
    %dot_general3A_14 = tpu.matmul %convert_element_type3A_10, %get3A_13, %dot_general3A {dimension_numbers = #tpu.dot_dimension_numbers<[1], [0], [0], [1], [0, 0, 1, 1], [], []>, transpose_lhs_hint = false} : vector<400x128xbf16>, vector<128x256xbf16>, vector<400x256xf32> -> vector<400x256xf32>
    %get3A_15 = arith.constant 0 : index
    %get3A_16 = arith.constant 0 : index
    %get3A_17 = vector.load %arg6[%get3A_15, %get3A_16] : memref<1x256xf32, #tpu.memory_space<vmem>>, vector<1x256xf32>
    %add3A_18 = vector.broadcast %get3A_17 : vector<1x256xf32> to vector<400x256xf32>
    %add3A_19 = arith.addf %dot_general3A_14, %add3A_18 : vector<400x256xf32>
    %max3A = arith.constant 0.000000e+00 : f32
    %max3A_20 = vector.broadcast %max3A : f32 to vector<400x256xf32>
    %max3A_21 = arith.maximumf %add3A_19, %max3A_20 : vector<400x256xf32>
    %convert_element_type3A_22 = arith.truncf %max3A_21 : vector<400x256xf32> to vector<400x256xbf16>
    %get3A_23 = arith.constant 0 : index
    %get3A_24 = arith.constant 0 : index
    %get3A_25 = vector.load %arg7[%get3A_23, %get3A_24] : memref<256x256xbf16, #tpu.memory_space<vmem>>, vector<256x256xbf16>
    %dot_general3A_26 = arith.constant dense<0.000000e+00> : vector<400x256xf32>
    %dot_general3A_27 = tpu.matmul %convert_element_type3A_22, %get3A_25, %dot_general3A_26 {dimension_numbers = #tpu.dot_dimension_numbers<[1], [0], [0], [1], [0, 0, 1, 1], [], []>, transpose_lhs_hint = false} : vector<400x256xbf16>, vector<256x256xbf16>, vector<400x256xf32> -> vector<400x256xf32>
    %get3A_28 = arith.constant 0 : index
    %get3A_29 = arith.constant 0 : index
    %get3A_30 = vector.load %arg8[%get3A_28, %get3A_29] : memref<1x256xf32, #tpu.memory_space<vmem>>, vector<1x256xf32>
    %add3A_31 = vector.broadcast %get3A_30 : vector<1x256xf32> to vector<400x256xf32>
    %add3A_32 = arith.addf %dot_general3A_27, %add3A_31 : vector<400x256xf32>
    %max3A_33 = arith.constant 0.000000e+00 : f32
    %max3A_34 = vector.broadcast %max3A_33 : f32 to vector<400x256xf32>
    %max3A_35 = arith.maximumf %add3A_32, %max3A_34 : vector<400x256xf32>
    %get3A_36 = arith.constant 0 : index
    %get3A_37 = arith.constant 0 : index
    %get3A_38 = vector.load %arg9[%get3A_36, %get3A_37] : memref<1x256xf32, #tpu.memory_space<vmem>>, vector<1x256xf32>
    %mul3A = arith.constant 0.999994993 : f32
    %mul3A_39 = vector.broadcast %mul3A : f32 to vector<1x256xf32>
    %mul3A_40 = arith.mulf %mul3A_39, %get3A_38 : vector<1x256xf32>
    %mul3A_41 = vector.broadcast %mul3A_40 : vector<1x256xf32> to vector<400x256xf32>
    %mul3A_42 = arith.mulf %max3A_35, %mul3A_41 : vector<400x256xf32>
    %get3A_43 = arith.constant 0 : index
    %get3A_44 = arith.constant 0 : index
    %get3A_45 = vector.load %arg10[%get3A_43, %get3A_44] : memref<1x256xf32, #tpu.memory_space<vmem>>, vector<1x256xf32>
    %add3A_46 = vector.broadcast %get3A_45 : vector<1x256xf32> to vector<400x256xf32>
    %add3A_47 = arith.addf %mul3A_42, %add3A_46 : vector<400x256xf32>
    %get3A_48 = arith.constant 0 : index
    %get3A_49 = arith.constant 0 : index
    %get3A_50 = arith.constant 0 : index
    %get3A_51 = vector.load %arg4[%get3A_48, %get3A_49, %get3A_50] : memref<1x1x400xi32, #tpu.memory_space<vmem>>, vector<1x1x400xi32>
    %get3A_52 = vector.shape_cast %get3A_51 : vector<1x1x400xi32> to vector<400xi32>
    %broadcast_in_dim3A = vector.shape_cast %get3A_52 : vector<400xi32> to vector<400x1xi32>
    %iota3A = tpu.iota {dimensions = array<i32: 1>} : vector<400x128xi32>
    %eq3A_53 = vector.broadcast %broadcast_in_dim3A : vector<400x1xi32> to vector<400x128xi32>
    %eq3A_54 = arith.cmpi eq, %eq3A_53, %iota3A : vector<400x128xi32>
    %jit3A = arith.constant 1.000000e+00 : f32
    %jit3A_55 = arith.constant 0.000000e+00 : f32
    %broadcast_in_dim3A_56 = vector.broadcast %jit3A : f32 to vector<400x128xf32>
    %broadcast_in_dim3A_57 = vector.broadcast %jit3A_55 : f32 to vector<400x128xf32>
    %select_n3A = arith.select %eq3A_54, %broadcast_in_dim3A_56, %broadcast_in_dim3A_57 : vector<400x128xi1>, vector<400x128xf32>
    %get3A_58 = arith.constant 0 : index
    %get3A_59 = arith.constant 0 : index
    %get3A_60 = vector.load %arg16[%get3A_58, %get3A_59] : memref<128x256xf32, #tpu.memory_space<vmem>>, vector<128x256xf32>
    %dot_general3A_61 = arith.constant dense<0.000000e+00> : vector<128x256xf32>
    %dot_general3A_62 = tpu.matmul %select_n3A, %add3A_47, %dot_general3A_61 {dimension_numbers = #tpu.dot_dimension_numbers<[0], [0], [1], [1], [0, 1, 1, 1], [], []>, transpose_lhs_hint = false} : vector<400x128xf32>, vector<400x256xf32>, vector<128x256xf32> -> vector<128x256xf32>
    %add3A_63 = arith.addf %get3A_60, %dot_general3A_62 : vector<128x256xf32>
    %swap3A = arith.constant 0 : index
    %swap3A_64 = arith.constant 0 : index
    %swap3A_65 = vector.load %arg16[%swap3A, %swap3A_64] : memref<128x256xf32, #tpu.memory_space<vmem>>, vector<128x256xf32>
    tpu.vector_store %arg16[%swap3A, %swap3A_64], %add3A_63 {strides = array<i32>} : memref<128x256xf32, #tpu.memory_space<vmem>>, vector<128x256xf32>,
    %eq3A_66 = arith.constant 24 : i32
    %eq3A_67 = arith.cmpi eq, %arg0, %eq3A_66 : i32
    %convert_element_type3A_68 = arith.extui %eq3A_67 : i1 to i32
    %cond3A_69 = arith.constant 0 : i32
    %cond3A_70 = arith.cmpi ne, %convert_element_type3A_68, %cond3A_69 : i32
    scf.if %cond3A_70 {
      %get3A_71 = arith.constant 0 : index
      %get3A_72 = arith.constant 0 : index
      %get3A_73 = vector.load %arg16[%get3A_71, %get3A_72] : memref<128x256xf32, #tpu.memory_space<vmem>>, vector<128x256xf32>
      %get3A_74 = arith.constant 0 : index
      %get3A_75 = arith.constant 0 : index
      %get3A_76 = vector.load %arg11[%get3A_74, %get3A_75] : memref<256x256xf32, #tpu.memory_space<vmem>>, vector<256x256xf32>
      %dot_general3A_77 = arith.constant dense<0.000000e+00> : vector<128x256xf32>
      %dot_general3A_78 = tpu.matmul %get3A_73, %get3A_76, %dot_general3A_77 {dimension_numbers = #tpu.dot_dimension_numbers<[1], [0], [0], [1], [0, 0, 1, 1], [], []>, transpose_lhs_hint = false} : vector<128x256xf32>, vector<256x256xf32>, vector<128x256xf32> -> vector<128x256xf32>
      %get3A_79 = arith.constant 0 : index
      %get3A_80 = arith.constant 0 : index
      %get3A_81 = vector.load %arg12[%get3A_79, %get3A_80] : memref<1x256xf32, #tpu.memory_space<vmem>>, vector<1x256xf32>
      %add3A_82 = vector.broadcast %get3A_81 : vector<1x256xf32> to vector<128x256xf32>
      %add3A_83 = arith.addf %dot_general3A_78, %add3A_82 : vector<128x256xf32>
      %max3A_84 = arith.constant 0.000000e+00 : f32
      %max3A_85 = vector.broadcast %max3A_84 : f32 to vector<128x256xf32>
      %max3A_86 = arith.maximumf %add3A_83, %max3A_85 : vector<128x256xf32>
      %get3A_87 = arith.constant 0 : index
      %get3A_88 = arith.constant 0 : index
      %get3A_89 = vector.load %arg13[%get3A_87, %get3A_88] : memref<256x128xf32, #tpu.memory_space<vmem>>, vector<256x128xf32>
      %dot_general3A_90 = arith.constant dense<0.000000e+00> : vector<128x128xf32>
      %dot_general3A_91 = tpu.matmul %max3A_86, %get3A_89, %dot_general3A_90 {dimension_numbers = #tpu.dot_dimension_numbers<[1], [0], [0], [1], [0, 0, 1, 1], [], []>, transpose_lhs_hint = false} : vector<128x256xf32>, vector<256x128xf32>, vector<128x128xf32> -> vector<128x128xf32>
      %get3A_92 = arith.constant 0 : index
      %get3A_93 = arith.constant 0 : index
      %get3A_94 = vector.load %arg14[%get3A_92, %get3A_93] : memref<1x128xf32, #tpu.memory_space<vmem>>, vector<1x128xf32>
      %add3A_95 = vector.broadcast %get3A_94 : vector<1x128xf32> to vector<128x128xf32>
      %add3A_96 = arith.addf %dot_general3A_91, %add3A_95 : vector<128x128xf32>
      %swap3A_97 = arith.constant 0 : index
      %swap3A_98 = arith.constant 0 : index
      %swap3A_99 = vector.load %arg15[%swap3A_97, %swap3A_98] : memref<128x128xf32, #tpu.memory_space<vmem>>, vector<128x128xf32>
      tpu.vector_store %arg15[%swap3A_97, %swap3A_98], %add3A_96 {strides = array<i32>} : memref<128x128xf32, #tpu.memory_space<vmem>>, vector<128x128xf32>,
    } else {
    }
    return
  }
  func.func @transform_0(%arg0: i32) -> (i32, i32) {
    %c0_i32 = arith.constant 0 : i32
    %c0_i32_0 = arith.constant 0 : i32
    return %arg0, %c0_i32 : i32, i32
  }
  func.func @transform_1(%arg0: i32) -> (i32, i32) {
    %c0_i32 = arith.constant 0 : i32
    %c0_i32_0 = arith.constant 0 : i32
    return %arg0, %c0_i32 : i32, i32
  }
  func.func @transform_2(%arg0: i32) -> (i32, i32) {
    %c0_i32 = arith.constant 0 : i32
    %c0_i32_0 = arith.constant 0 : i32
    return %arg0, %c0_i32 : i32, i32
  }
  func.func @transform_3(%arg0: i32) -> (i32, i32, i32) {
    %c0_i32 = arith.constant 0 : i32
    %c0_i32_0 = arith.constant 0 : i32
    %c0_i32_1 = arith.constant 0 : i32
    return %arg0, %c0_i32, %c0_i32_0 : i32, i32, i32
  }
  func.func @transform_4(%arg0: i32) -> (i32, i32) {
    %c0_i32 = arith.constant 0 : i32
    %c0_i32_0 = arith.constant 0 : i32
    %c0_i32_1 = arith.constant 0 : i32
    return %c0_i32, %c0_i32_0 : i32, i32
  }
  func.func @transform_5(%arg0: i32) -> (i32, i32) {
    %c0_i32 = arith.constant 0 : i32
    %c0_i32_0 = arith.constant 0 : i32
    %c0_i32_1 = arith.constant 0 : i32
    return %c0_i32, %c0_i32_0 : i32, i32
  }
  func.func @transform_6(%arg0: i32) -> (i32, i32) {
    %c0_i32 = arith.constant 0 : i32
    %c0_i32_0 = arith.constant 0 : i32
    %c0_i32_1 = arith.constant 0 : i32
    return %c0_i32, %c0_i32_0 : i32, i32
  }
  func.func @transform_7(%arg0: i32) -> (i32, i32) {
    %c0_i32 = arith.constant 0 : i32
    %c0_i32_0 = arith.constant 0 : i32
    %c0_i32_1 = arith.constant 0 : i32
    return %c0_i32, %c0_i32_0 : i32, i32
  }
  func.func @transform_8(%arg0: i32) -> (i32, i32) {
    %c0_i32 = arith.constant 0 : i32
    %c0_i32_0 = arith.constant 0 : i32
    %c0_i32_1 = arith.constant 0 : i32
    return %c0_i32, %c0_i32_0 : i32, i32
  }
  func.func @transform_9(%arg0: i32) -> (i32, i32) {
    %c0_i32 = arith.constant 0 : i32
    %c0_i32_0 = arith.constant 0 : i32
    %c0_i32_1 = arith.constant 0 : i32
    return %c0_i32, %c0_i32_0 : i32, i32
  }
  func.func @transform_10(%arg0: i32) -> (i32, i32) {
    %c0_i32 = arith.constant 0 : i32
    %c0_i32_0 = arith.constant 0 : i32
    %c0_i32_1 = arith.constant 0 : i32
    return %c0_i32, %c0_i32_0 : i32, i32
  }
  func.func @transform_11(%arg0: i32) -> (i32, i32) {
    %c0_i32 = arith.constant 0 : i32
    %c0_i32_0 = arith.constant 0 : i32
    %c0_i32_1 = arith.constant 0 : i32
    return %c0_i32, %c0_i32_0 : i32, i32
  }
  func.func @transform_12(%arg0: i32) -> (i32, i32) {
    %c0_i32 = arith.constant 0 : i32
    %c0_i32_0 = arith.constant 0 : i32
    %c0_i32_1 = arith.constant 0 : i32
    return %c0_i32, %c0_i32_0 : i32, i32
  }
  func.func @transform_13(%arg0: i32) -> (i32, i32) {
    %c0_i32 = arith.constant 0 : i32
    %c0_i32_0 = arith.constant 0 : i32
    %c0_i32_1 = arith.constant 0 : i32
    return %c0_i32, %c0_i32_0 : i32, i32
  }
  func.func @transform_14(%arg0: i32) -> (i32, i32) {
    %c0_i32 = arith.constant 0 : i32
    %c0_i32_0 = arith.constant 0 : i32
    %c0_i32_1 = arith.constant 0 : i32
    return %c0_i32, %c0_i32_0 : i32, i32
  }
}

</mosaic_0001>

<sc_bundles>
// kernel: kernel.4.cloned.1.call-start
scs
__scs_entry_jumppad:
0x0: {  	(pc) =	sbr.rel $0x88, $3  }
0x1: {  	(tag) =	ssettag $0x0;
	lr =	simm.s32 $0x1  }
0x2: {  	[smem:$0x3F94] =	sst lr;
	_ =	strace $0xD0000000  }
0x3: {  	_ = 	snop  }
0x4: {  	_ = 	snop  }
0x5: {  	_ = 	snop  }
0x6: {  	_ = 	snop  }
0x7: {  	_ = 	snop  }
__scs_overlays_trampoline_lowered:
0x8: {  	[smem:$0x3FA3] =	sst s0  }
0x9: {  	[smem:$0x3FA4] =	sst s1  }
0xa: {  	[smem:$0x3FA5] =	sst s2  }
0xb: {  	[smem:$0x3FA6] =	sst s3  }
0xc: {  	[smem:$0x3FA7] =	sst s4  }
0xd: {  	[smem:$0x3FA8] =	sst s5  }
0xe: {  	[smem:$0x3FA9] =	sst s6  }
0xf: {  	[smem:$0x3FAA] =	sst s7  }
0x10: {  	[smem:$0x3FAB] =	sst s8  }
0x11: {  	[smem:$0x3FAC] =	sst s9;
	s0 =	simm.s32 @!p0 $0x0  }
0x12: {  	s1 =	sld [smem:$0x3F92];
	s0 =	simm.s32 @p0 $0x1  }
0x13: {  	[smem:$0x3FAD] =	sst s0;
	s0 =	simm.s32 @!p1 $0x0  }
0x14: {  	s2 =	sld [smem:$0x3F91];
	s0 =	simm.s32 @p1 $0x1  }
0x15: {  	[smem:$0x3FAE] =	sst s0;
	s0 =	simm.s32 @!p2 $0x0  }
0x16: {  	s3 =	sld [smem:$0x3FDB];
	s0 =	simm.s32 @p2 $0x1  }
0x17: {  	s4 =	simm.s32 $0x1BF5;
	[smem:$0x3FB0] =	sst s0  }
0x18: {  	s0 =	sld [smem:$0x3F93];
	_ =	swait.ge [sflag:s4], $0x0  }
0x19: {  	s7 =	sld [smem:$0x3F94]  }
0x1a: {  	s8 =	sadd.s32 $0xFFFFE003, lr  }
0x1b: {  	s9 =	sadd.s32 $0xFFFFFEF7, lr;
	s5 =	simm.s32 $0xFFFFFFFF;
	p2 =	slt.u32 s8, $0xFFFFF086  }
0x1c: {  	p1 =	slt.u32 s9, $0xF7A;
	s5 =	simm.s32 @!p2 $0x0  }
0x1d: {  	s5 =	simm.s32 @p1 $0x1;
	p0 =	seq.s32 s7, s2  }
0x1e: {  	s7 =	smul.u32 @!p0 $0xF7A, s2;
	p2 =	seq.s32 @!p0 s5, $0x0  }
0x1f: {  	s9 =	smul.u32 $0xF7A, s1;
	s8 =	simm.s32 @!p0 $0x1BF5;
	p2 =	por !p2, p0  }
0x20: {  	[sflag:s8] =	ssyncset.s32 @!p0 $0xFFFFF086;
	s6 =	sadd.s32 @!p0 s3, s7;
	s7 =	simm.s32 @!p0 $0x108  }
0x21: {  	s3 =	sadd.s32 s3, s9;
	s6 =	sadd.s32 @!p0 $0x88, s6;
	s7 =	simm.s32 @p2 $0x1082  }
0x22: {  	[simem:s7], [sflag:s8] =	dma.local @!p0 [hbm:s6], $0xF7A  }
0x23: {  	s9 =	sor.u32 $0xD0000000, s2;
	s6 =	simm.s32 $0x108;
	_ =	swait.ge @!p0 [sflag:s8], $0x0  }
0x24: {  	s3 =	sadd.s32 $0x88, s3;
	s6 =	simm.s32 @!p1 $0x1082;
	[sflag:s4] =	ssyncset.s32 $0xFFFFF086  }
0x25: {  	[simem:s6], [sflag:s4] =	dma.local [hbm:s3], $0xF7A  }
0x26: {  	[smem:$0x3F94] =	sst s1;
	(tag) =	ssettag s2;
	_ =	strace s9  }
0x27: {  	s1 =	sld [smem:$0x3FA4]  }
0x28: {  	s2 =	sld [smem:$0x3FA5]  }
0x29: {  	s4 =	sld [smem:$0x3FA7]  }
0x2a: {  	p0 =	seq.s32 s5, $0x0;
	s5 =	sld [smem:$0x3FA8]  }
0x2b: {  	s6 =	sld [smem:$0x3FA9]  }
0x2c: {  	s7 =	sld [smem:$0x3FAA]  }
0x2d: {  	s3 =	simm.s32 $0x108;
	s8 =	sld [smem:$0x3FAB]  }
0x2e: {  	s3 =	simm.s32 @!p0 $0x1082;
	s9 =	sld [smem:$0x3FAC]  }
0x2f: {  	lr =	sadd.s32 s0, s3;
	s0 =	sld [smem:$0x3FA3]  }
0x30: {  	s3 =	sld [smem:$0x3FA6]  }
0x31: {  	[smem:$0x3FAF] =	sst s10  }
0x32: {  	s10 =	sld [smem:$0x3FAD];
	_ =	sdelay $0x3  }
0x33: {  	p0 =	seq.s32 s10, $0x1;
	s10 =	sld [smem:$0x3FAF];
	_ =	sdelay $0x3  }
0x34: {  	[smem:$0x3FAF] =	sst s10  }
0x35: {  	s10 =	sld [smem:$0x3FAE];
	_ =	sdelay $0x3  }
0x36: {  	p1 =	seq.s32 s10, $0x1;
	s10 =	sld [smem:$0x3FAF];
	_ =	sdelay $0x3  }
0x37: {  	[smem:$0x3FAF] =	sst s10  }
0x38: {  	s10 =	sld [smem:$0x3FB0]  }
0x39: {  	_ = 	snop;
	(pc) =	sbr.ind lr, $3  }
0x3a: {  	_ = 	snop  }
0x3b: {  	_ = 	snop  }
0x3c: {  	p2 =	seq.s32 s10, $0x1;
	s10 =	sld [smem:$0x3FAF]  }
0x3d: {  	_ =	shalt  }
0x3e: {  	_ =	shalt  }
0x3f: {  	_ =	shalt  }
0x40: {  	_ =	shalt  }
0x41: {  	_ =	shalt  }
0x42: {  	_ =	shalt  }
0x43: {  	_ =	shalt  }
0x44: {  	_ =	shalt  }
0x45: {  	_ =	shalt  }
0x46: {  	_ =	shalt  }
0x47: {  	_ =	shalt  }
0x48: {  	_ =	shalt  }
0x49: {  	_ =	shalt  }
0x4a: {  	_ =	shalt  }
0x4b: {  	_ =	shalt  }
0x4c: {  	_ =	shalt  }
0x4d: {  	_ =	shalt  }
0x4e: {  	_ =	shalt  }
0x4f: {  	_ =	shalt  }
0x50: {  	_ =	shalt  }
0x51: {  	_ =	shalt  }
0x52: {  	_ =	shalt  }
0x53: {  	_ =	shalt  }
0x54: {  	_ =	shalt  }
0x55: {  	_ =	shalt  }
0x56: {  	_ =	shalt  }
0x57: {  	_ =	shalt  }
0x58: {  	_ =	shalt  }
0x59: {  	_ =	shalt  }
0x5a: {  	_ =	shalt  }
0x5b: {  	_ =	shalt  }
0x5c: {  	_ =	shalt  }
0x5d: {  	_ =	shalt  }
0x5e: {  	_ =	shalt  }
0x5f: {  	_ =	shalt  }
0x60: {  	_ =	shalt  }
0x61: {  	_ =	shalt  }
0x62: {  	_ =	shalt  }
0x63: {  	_ =	shalt  }
0x64: {  	_ =	shalt  }
0x65: {  	_ =	shalt  }
0x66: {  	_ =	shalt  }
0x67: {  	_ =	shalt  }
0x68: {  	_ =	shalt  }
0x69: {  	_ =	shalt  }
0x6a: {  	_ =	shalt  }
0x6b: {  	_ =	shalt  }
0x6c: {  	_ =	shalt  }
0x6d: {  	_ =	shalt  }
0x6e: {  	_ =	shalt  }
0x6f: {  	_ =	shalt  }
0x70: {  	_ =	shalt  }
0x71: {  	_ =	shalt  }
0x72: {  	_ =	shalt  }
0x73: {  	_ =	shalt  }
0x74: {  	_ =	shalt  }
0x75: {  	_ =	shalt  }
0x76: {  	_ =	shalt  }
0x77: {  	_ =	shalt  }
0x78: {  	_ =	shalt  }
0x79: {  	_ =	shalt  }
0x7a: {  	_ =	shalt  }
0x7b: {  	_ =	shalt  }
0x7c: {  	_ =	shalt  }
0x7d: {  	_ =	shalt  }
0x7e: {  	_ =	shalt  }
0x7f: {  	_ =	shalt  }
0x80: {  	_ =	shalt  }
0x81: {  	_ =	shalt  }
0x82: {  	_ =	shalt  }
0x83: {  	_ =	shalt  }
0x84: {  	_ =	shalt  }
0x85: {  	_ =	shalt  }
0x86: {  	_ =	shalt  }
0x87: {  	_ =	shalt  }
.Lfunc_end0:
.L_simem_size_0:
called_computation_lowered:
.L_overlay_start_0:
0x88: {  	s2 =	sld [smem:$0x3FD9]  }
0x89: {  	s3 =	sld [smem:$0x3FFE];
	_ =	sdelay $0x1  }
0x8a: {  	s1 =	srdreg.scid  }
0x8b: {  	s0 =	sand.u32 $0x1, s1  }
0x8c: {  	s17 =	sshll.u32 s0, $0xA;
	s2 =	sadd.s32 s3, s2  }
0x8d: {  	s2 =	sadd.s32 s2, s17  }
0x8e: {  	[smem:$0x3FBB] =	sst s2  }
0x8f: {  	_ = 	snop  }
0x90: {  	s2 =	sld [smem:$0x3FC9];
	(tm) =	ssettm $0x1  }
0x91: {  	s18 =	sld [smem:$0x3FFB];
	_ =	sdelay $0x3  }
0x92: {  	_ =	strace s18  }
0x93: {  	s3 =	sld [smem:$0x3FFC];
	_ =	sdelay $0x3  }
0x94: {  	_ =	strace s3  }
0x95: {  	s3 =	sld [smem:$0x3FFD];
	_ =	sdelay $0x3  }
0x96: {  	_ =	strace s3  }
0x97: {  	_ =	strace $0x8FFFFFFF  }
0x98: {  	s19 =	sld [smem:$0x3FDB];
	_ =	sdelay $0x1  }
0x99: {  	s4 =	simm.s32 $_scs_section_size  }
0x9a: {  	s5 =	simm.s32 $_size__tile_overlayer_lowered;
	s6 =	simm.s32 $_tile_overlayer_lowered  }
0x9b: {  	s22 =	simm.s32 $0x1BFF;
	s21 =	sshll.u32 s6, $0x1;
	s3 =	sadd.s32 s4, s19  }
0x9c: {  	s7 =	simm.s32 $0x0;
	s20 =	sshll.u32 s5, $0x1;
	s5 =	sadd.s32 s21, s3  }
0x9d: {  	[timem:s7], [sflag:s22] =	dma.local [hbm:s5], s20  }
0x9e: {  	_ =	swait.ge [sflag:s22], s20  }
0x9f: {  	s4 =	ssub.s32 $0x0, s20;
	[sflag:s22] =	ssyncset.done $0x0  }
0xa0: {  	[sflag:s22] =	ssyncadd.s32 s4;
	_ =	sdelay $0x1  }
0xa1: {  	s23 =	simm.s32 $0x1B8B  }
0xa2: {  	_ =	swait.ge [sflag:s23], $0x1  }
0xa3: {  	[sflag:s23] =	ssyncset.done $0x0  }
0xa4: {  	s25 =	simm.s32 $0x1B8E;
	s24 =	sld [smem:$0x3FFE];
	[sflag:s23] =	ssyncadd.s32 $0xFFFFFFFF  }
0xa5: {  	s26 =	simm.s32 $execute0_lowered;
	[smem:$0x3FD2] =	sst s25  }
0xa6: {  	s5 =	sshll.u32 s26, $0x1;
	_ =	strace $0x80000046;
	[dreg:$0x1] =	wrdreg $0xFFFFFFFF  }
0xa7: {  	s28 =	simm.s32 $_size_execute0_lowered;
	s3 =	sadd.s32 s3, s5;
	[dreg:$0x0] =	wrdreg $0x0  }
0xa8: {  	s5 =	sshll.u32 s28, $0x1;
	[dreg:$0x2] =	wrdreg s3  }
0xa9: {  	[dreg:$0x3] =	wrdreg s5  }
0xaa: {  	[dreg:$0x4] =	wrdreg $0xC0  }
0xab: {  	_ =	task [dreg:s7], $0x5FFFF  }
0xac: {  	[dreg:$0x1] =	wrdreg $0xFFFFFFFF  }
0xad: {  	[dreg:$0x0] =	wrdreg $0x60  }
0xae: {  	[dreg:$0x2] =	wrdreg s2  }
0xaf: {  	[dreg:$0x3] =	wrdreg s24  }
0xb0: {  	[dreg:$0x4] =	wrdreg $0x122000  }
0xb1: {  	[dreg:$0x5] =	wrdreg $0x9  }
0xb2: {  	_ =	task.clear_ibuf [dreg:s7], $0x6FFFF;
	_ =	strace $0x90000046  }
0xb3: {  	s29 =	simm.s32 $0x9;
	_ =	strace $0x80000048  }
0xb4: {  	_ =	swait.ge [sflag:s29], $0x1  }
0xb5: {  	[sflag:s29] =	ssyncadd.s32 $0xFFFFFFFF  }
0xb6: {  	_ =	strace $0x90000048  }
0xb7: {  	_ =	sfence  }
0xb8: {  	s30 =	sld [smem:$0x0];
	_ =	sdelay $0x2  }
0xb9: {  	s31 =	sshll.u32 s1, $0xD;
	s1 =	sshrl.u32 s1, $0x2  }
0xba: {  	s3 =	sand.u32 $0x4000, s31;
	s1 =	sadd.s32 s1, s30  }
0xbb: {  	s0 =	sor.u32 s3, s0;
	s1 =	sshll.u32 s1, $0x11  }
0xbc: {  	s0 =	sor.u32 s1, s0  }
0xbd: {  	s0 =	sadd.s32 $0x8F2B, s0  }
0xbe: {  	[sflag:s0] =	ssyncadd.remote.s32 $0x1  }
0xbf: {  	_ =	sfence.sel $0xFFFF  }
0xc0: {  	[dreg:$0x0] =	wrdreg $0xFFFFFFFF;
	(pc) =	sbr.abs _section_cstart, $3  }
0xc1: {  	[dreg:$0x1] =	wrdreg $0xFFFFFFFF  }
0xc2: {  	_ =	task.clear_ibuf [dreg:s7], $0x2FFFF;
	_ =	strace $0x9FFFFFFF  }
0xc3: {  	(tm) =	ssettm $0x7FFFFFFF  }
tec
execute0_lowered:
.L_overlay_start_1:
0x0: {  	(tag) =	ssettag $0x1  }
0x1: {  	s1 =	rddreg [dreg:$0x0]  }
0x2: {  	s0 =	rddreg [dreg:$0x1]  }
0x3: {  	s2 =	rddreg [dreg:$0x2];
	s4 =	simm.s32 $0x0;
	s17 =	stileid.u32  }
0x4: {  	s3 =	srdreg.scid;
	s16 =	simm.s32 $0x5;
	s18 =	simm.s32 $0xA200  }
0x5: {  	s19 =	simm.s32 $0x80;
	s20 =	simm.s32 $0xA000;
	s21 =	simm.s32 $0xA080  }
0x6: {  	s22 =	simm.s32 $0xC200;
	s23 =	simm.s32 $0xA100;
	s28 =	simm.s32 $0x1  }
0x7: {  	s29 =	simm.s32 $0x2;
	s30 =	simm.s32 $0x3;
	s24 =	smul.u32 $0x5000, s17  }
0x8: {  	s31 =	simm.s32 $0x4;
	[smem:$0x7FF] =	sst s4;
	s7 =	smul.u32 $0x27000, s17  }
0x9: {  	s3 =	sand.u32 $0x1, s3;
	s11 =	smul.u32 $0x9C00, s17;
	p0 =	sne.s32 s17, $0x0  }
0xa: {  	_ =	strace $0x80000047;
	s5 =	ssub.s32 $0x2, s3;
	s12 =	smul.u32 $0x9C400, s3  }
0xb: {  	s4 =	sshrl.u32 s24, $0x3;
	s6 =	sshrl.u32 s5, $0x1;
	s7 =	sshrl.u32 s7, $0x2  }
0xc: {  	s24 =	simm.s32 $0xE200;
	s4 =	sadd.s32 s4, s0;
	s0 =	sadd.s32 $0x16200, s0  }
0xd: {  	s15 =	ssub.s32 s5, s6;
	s25 =	sadd.s32 s7, s2;
	s7 =	sadd.s32 s11, s2  }
0xe: {  	s13 =	sadd.s32 s11, s12;
	s12 =	sshrl.u32 s12, $0x3;
	s5 =	sadd.s32 $0x2200, s4  }
.Ltmp0:
0xf: {  	s6 =	sadd.s32 $0xC200, s4;
	s8 =	sadd.s32 $0x2000, s25;
	(pc) =	sbr.rel .LBB2_1-.Ltmp0, $4  }
0x10: {  	s9 =	sadd.s32 $0x4000, s25;
	s10 =	sadd.s32 $0x6000, s25;
	s11 =	sadd.s32 $0x8000, s25  }
0x11: {  	s26 =	sshrl.u32 s13, $0x3;
	s14 =	sadd.s32 s0, s12;
	s12 =	sadd.s32 $0x9C000, s2  }
0x12: {  	s15 =	smax.u32 s15, $0x1;
	s25 =	simm.s32 $0xA180;
	s13 =	sadd.s32 s0, s26  }
0x13: {  	v1 =	vimm.f32 $0.0e+00;
	v0 =	vmov s3;
	s14 =	sadd.s32 $0x13800, s14;
	s26 =	simm.s32 $0x10200;
	s0 =	simm.s32 $0x0  }
.LBB2_9:
0x14: {  	_ =	swait.ge [sflag:s31], $0x2000  }
0x15: {  	[sflag:s31] =	ssyncset.done $0x0  }
0x16: {  	[sflag:s31] =	ssyncadd.s32 $0xFFFFE000  }
0x17: {  	[spmem:s2] =	stream.indirect.scatter.add.f32 [tilespmem:s26], [sflag:$0x5], $0x40, s3, s19, $0xb8;
	[tilespmem:$0x1C040] =	vst v63  }
0x18: {  	_ =	swait.ge [sflag:s16], $0x2000  }
0x19: {  	s17 =	stileid.u32;
	[sflag:s16] =	ssyncset.done $0x0  }
0x1a: {  	s3 =	sshll.u32 s17, $0x6;
	[sflag:s16] =	ssyncadd.s32 $0xFFFFE000  }
0x1b: {  	s4 =	sshrl.u32 s7, $0x3;
	s3 =	sor.u32 $0x1C05, s3;
	[bflag:$0x0] =	sbarrier.arrive $0xFFFF  }
0x1c: {  	[hbm:s13], [sflag:s3] =	dma.local [spmem:s4], $0x1380  }
0x1d: {  	_ =	swait.ge [sflag:s16], $0x1380  }
0x1e: {  	s0 =	sadd.s32 $0x1, s0;
	[sflag:s16] =	ssyncset.done $0x0  }
0x1f: {  	p1 =	sne.s32 s0, s15;
	s4 =	sshrl.u32 @!p0 s12, $0x3;
	[sflag:s16] =	ssyncadd.s32 $0xFFFFEC80  }
0x20: {  	[hbm:s14], [sflag:s3] =	dma.local @!p0 [spmem:s4], $0x80  }
.Ltmp1:
0x21: {  	_ = 	snop;
	(pc) =	sbr.rel @!p1 .LBB2_10-.Ltmp1, $4  }
0x22: {  	s3 =	simm.s32 @!p0 $0x5  }
0x23: {  	_ =	swait.ge @!p0 [sflag:s3], $0x80  }
0x24: {  	[sflag:s3] =	ssyncset.done @!p0 $0x0  }
0x25: {  	[sflag:s3] =	ssyncadd.s32 @!p0 $0xFFFFFF80  }
.LBB2_1:
0x26: {  	s3 =	simm.s32 $0x0  }
0x27: {  	[tilespmem:s3], [sflag:$0x5] =	stream.linear.gather [hbm4b:s5+s3], $0x5000, $0x38;
	[tilespmem:$0x1C040] =	vst v63  }
0x28: {  	_ =	swait.ge [sflag:s16], $0x5000  }
0x29: {  	[sflag:s16] =	ssyncset.done $0x0  }
0x2a: {  	s4 =	simm.s32 $0x5000;
	[sflag:s16] =	ssyncadd.s32 $0xFFFFB000  }
0x2b: {  	[tilespmem:s4], [sflag:$0x5] =	stream.linear.gather [hbm4b:s6+s3], $0x5000, $0x38;
	[tilespmem:$0x1C040] =	vst v63  }
0x2c: {  	_ =	swait.ge [sflag:s16], $0x5000  }
0x2d: {  	[sflag:s16] =	ssyncset.done $0x0  }
0x2e: {  	s4 =	simm.s32 $0x100;
	s3 =	simm.s32 $0x0;
	[sflag:s16] =	ssyncadd.s32 $0xFFFFB000  }
.LBB2_2:
0x2f: {  	p1 =	sne.s32 s4, $0x7F00;
	[tilespmem:s3+$0xA230] =	vst v1;
	s17 =	smov.u32 s4;
	s4 =	sadd.s32 $0x100, s4  }
.Ltmp2:
0x30: {  	[tilespmem:s3+$0xA220] =	vst v1;
	(pc) =	sbr.rel @p1 .LBB2_2-.Ltmp2, $3  }
0x31: {  	[tilespmem:s3+$0xA200] =	vst v1  }
0x32: {  	[tilespmem:s3+$0xA210] =	vst v1;
	_ =	sdelay $0x1  }
0x33: {  	s3 =	sshra.s32 s17, $0x2  }
0x34: {  	[tilespmem:s3+$0xA230] =	vst v1  }
0x35: {  	[tilespmem:s3+$0xA220] =	vst v1  }
0x36: {  	[tilespmem:s3+$0xA200] =	vst v1  }
0x37: {  	[tilespmem:s3+$0xA210] =	vst v1  }
0x38: {  	[spmem:s7] =	stream.linear.scatter [tilespmem:s18], [sflag:$0x5], $0x2000, $0x38;
	[tilespmem:$0x1C040] =	vst v63  }
0x39: {  	_ =	swait.ge [sflag:s16], $0x2000  }
0x3a: {  	[sflag:s16] =	ssyncset.done $0x0  }
0x3b: {  	[sflag:s16] =	ssyncadd.s32 $0xFFFFE000  }
0x3c: {  	[spmem:s8] =	stream.linear.scatter [tilespmem:s18], [sflag:$0x5], $0x2000, $0x38;
	[tilespmem:$0x1C040] =	vst v63  }
0x3d: {  	_ =	swait.ge [sflag:s16], $0x2000  }
0x3e: {  	[sflag:s16] =	ssyncset.done $0x0  }
0x3f: {  	[sflag:s16] =	ssyncadd.s32 $0xFFFFE000  }
0x40: {  	[spmem:s9] =	stream.linear.scatter [tilespmem:s18], [sflag:$0x5], $0x2000, $0x38;
	[tilespmem:$0x1C040] =	vst v63  }
0x41: {  	_ =	swait.ge [sflag:s16], $0x2000  }
0x42: {  	[sflag:s16] =	ssyncset.done $0x0  }
0x43: {  	[sflag:s16] =	ssyncadd.s32 $0xFFFFE000  }
0x44: {  	[spmem:s10] =	stream.linear.scatter [tilespmem:s18], [sflag:$0x5], $0x2000, $0x38;
	[tilespmem:$0x1C040] =	vst v63  }
0x45: {  	_ =	swait.ge [sflag:s16], $0x2000  }
0x46: {  	[sflag:s16] =	ssyncset.done $0x0  }
0x47: {  	[sflag:s16] =	ssyncadd.s32 $0xFFFFE000  }
0x48: {  	[spmem:s11] =	stream.linear.scatter [tilespmem:s18], [sflag:$0x5], $0x1C00, $0x38;
	[tilespmem:$0x1C040] =	vst v63  }
0x49: {  	_ =	swait.ge [sflag:s16], $0x1C00  }
0x4a: {  	[sflag:s16] =	ssyncset.done $0x0  }
0x4b: {  	s3 =	simm.s32 @!p0 $0xA200;
	[sflag:s16] =	ssyncadd.s32 $0xFFFFE400  }
0x4c: {  	[spmem:s12] =	stream.linear.scatter @!p0 [tilespmem:s3], [sflag:$0x5], $0x400, $0x38;
	[tilespmem:$0x1C040] =	vst v63  }
0x4d: {  	s3 =	simm.s32 @!p0 $0x5  }
0x4e: {  	_ =	swait.ge @!p0 [sflag:s3], $0x400  }
0x4f: {  	[sflag:s3] =	ssyncset.done @!p0 $0x0  }
0x50: {  	[sflag:s3] =	ssyncadd.s32 @!p0 $0xFFFFFC00  }
0x51: {  	[bflag:$0x0] =	sbarrier.arrive $0xFFFF  }
0x52: {  	v2 =	vld [tilespmem:$0x0]  }
0x53: {  	v3 =	vld [tilespmem:$0x10]  }
0x54: {  	v4 =	vld [tilespmem:$0x20]  }
0x55: {  	v5 =	vld [tilespmem:$0x30]  }
0x56: {  	v6 =	vld [tilespmem:$0x40]  }
0x57: {  	v7 =	vld [tilespmem:$0x50];
	v2 =	vshll.u32 v2, $0x1  }
0x58: {  	v8 =	vld [tilespmem:$0x60];
	v3 =	vshll.u32 v3, $0x1;
	v2 =	vor.u32 v0, v2  }
0x59: {  	v45 =	vld [tilespmem:$0x70];
	[tilespmem:$0xA000] =	vst v2;
	v2 =	vor.u32 v0, v3;
	v3 =	vshll.u32 v4, $0x1  }
0x5a: {  	[tilespmem:$0xA010] =	vst v2;
	v2 =	vor.u32 v0, v3;
	v3 =	vshll.u32 v5, $0x1  }
0x5b: {  	[tilespmem:$0xA020] =	vst v2;
	v2 =	vor.u32 v0, v3;
	v3 =	vshll.u32 v6, $0x1  }
0x5c: {  	[tilespmem:$0xA030] =	vst v2;
	v2 =	vor.u32 v0, v3;
	v3 =	vshll.u32 v7, $0x1  }
0x5d: {  	[tilespmem:$0xA040] =	vst v2;
	v2 =	vor.u32 v0, v3;
	v3 =	vshll.u32 v8, $0x1  }
0x5e: {  	[tilespmem:$0xA050] =	vst v2;
	v2 =	vor.u32 v0, v3;
	v3 =	vshll.u32 v45, $0x1  }
0x5f: {  	[tilespmem:$0xA060] =	vst v2;
	v2 =	vor.u32 v0, v3  }
0x60: {  	[tilespmem:$0xA070] =	vst v2  }
0x61: {  	[tilespmem:s18], [sflag:$0x1] =	stream.indirect.gather [hbm4b:s1+s19], $0x40, s20, s19, $0xb8;
	[tilespmem:$0x1C040] =	vst v63  }
0x62: {  	v2 =	vld [tilespmem:$0x80]  }
0x63: {  	v3 =	vld [tilespmem:$0x90]  }
0x64: {  	v46 =	vld [tilespmem:$0xA0]  }
0x65: {  	v47 =	vld [tilespmem:$0xB0]  }
0x66: {  	v48 =	vld [tilespmem:$0xC0]  }
0x67: {  	v49 =	vld [tilespmem:$0xD0];
	v2 =	vshll.u32 v2, $0x1  }
0x68: {  	v50 =	vld [tilespmem:$0xE0];
	v3 =	vshll.u32 v3, $0x1;
	v2 =	vor.u32 v0, v2  }
0x69: {  	v51 =	vld [tilespmem:$0xF0];
	[tilespmem:$0xA080] =	vst v2;
	v2 =	vor.u32 v0, v3;
	v3 =	vshll.u32 v46, $0x1  }
0x6a: {  	[tilespmem:$0xA090] =	vst v2;
	v2 =	vor.u32 v0, v3;
	v3 =	vshll.u32 v47, $0x1  }
0x6b: {  	[tilespmem:$0xA0A0] =	vst v2;
	v2 =	vor.u32 v0, v3;
	v3 =	vshll.u32 v48, $0x1  }
0x6c: {  	[tilespmem:$0xA0B0] =	vst v2;
	v2 =	vor.u32 v0, v3;
	v3 =	vshll.u32 v49, $0x1  }
0x6d: {  	[tilespmem:$0xA0C0] =	vst v2;
	v2 =	vor.u32 v0, v3;
	v3 =	vshll.u32 v50, $0x1  }
0x6e: {  	[tilespmem:$0xA0D0] =	vst v2;
	v2 =	vor.u32 v0, v3;
	v3 =	vshll.u32 v51, $0x1  }
0x6f: {  	[tilespmem:$0xA0E0] =	vst v2;
	v2 =	vor.u32 v0, v3  }
0x70: {  	[tilespmem:$0xA0F0] =	vst v2  }
0x71: {  	[tilespmem:s22], [sflag:$0x2] =	stream.indirect.gather [hbm4b:s1+s19], $0x40, s21, s19, $0xb8;
	[tilespmem:$0x1C040] =	vst v63  }
0x72: {  	v2 =	vld [tilespmem:$0x100]  }
0x73: {  	v3 =	vld [tilespmem:$0x110]  }
0x74: {  	v52 =	vld [tilespmem:$0x120]  }
0x75: {  	v53 =	vld [tilespmem:$0x130]  }
0x76: {  	v54 =	vld [tilespmem:$0x140]  }
0x77: {  	v55 =	vld [tilespmem:$0x150];
	v2 =	vshll.u32 v2, $0x1  }
0x78: {  	v56 =	vld [tilespmem:$0x160];
	v3 =	vshll.u32 v3, $0x1;
	v2 =	vor.u32 v0, v2  }
0x79: {  	v57 =	vld [tilespmem:$0x170];
	[tilespmem:$0xA100] =	vst v2;
	v2 =	vor.u32 v0, v3;
	v3 =	vshll.u32 v52, $0x1  }
0x7a: {  	[tilespmem:$0xA110] =	vst v2;
	v2 =	vor.u32 v0, v3;
	v3 =	vshll.u32 v53, $0x1  }
0x7b: {  	[tilespmem:$0xA120] =	vst v2;
	v2 =	vor.u32 v0, v3;
	v3 =	vshll.u32 v54, $0x1  }
0x7c: {  	[tilespmem:$0xA130] =	vst v2;
	v2 =	vor.u32 v0, v3;
	v3 =	vshll.u32 v55, $0x1  }
0x7d: {  	[tilespmem:$0xA140] =	vst v2;
	v2 =	vor.u32 v0, v3;
	v3 =	vshll.u32 v56, $0x1  }
0x7e: {  	[tilespmem:$0xA150] =	vst v2;
	v2 =	vor.u32 v0, v3;
	v3 =	vshll.u32 v57, $0x1  }
0x7f: {  	[tilespmem:$0xA160] =	vst v2;
	v2 =	vor.u32 v0, v3  }
0x80: {  	[tilespmem:$0xA170] =	vst v2  }
0x81: {  	[tilespmem:s24], [sflag:$0x3] =	stream.indirect.gather [hbm4b:s1+s19], $0x40, s23, s19, $0xb8;
	[tilespmem:$0x1C040] =	vst v63  }
0x82: {  	v2 =	vld [tilespmem:$0x180]  }
0x83: {  	v3 =	vld [tilespmem:$0x190]  }
0x84: {  	v58 =	vld [tilespmem:$0x1A0]  }
0x85: {  	v59 =	vld [tilespmem:$0x1B0]  }
0x86: {  	v60 =	vld [tilespmem:$0x1C0]  }
0x87: {  	v61 =	vld [tilespmem:$0x1D0];
	v2 =	vshll.u32 v2, $0x1  }
0x88: {  	v62 =	vld [tilespmem:$0x1E0];
	v3 =	vshll.u32 v3, $0x1;
	v2 =	vor.u32 v0, v2  }
0x89: {  	v63 =	vld [tilespmem:$0x1F0];
	[tilespmem:$0xA180] =	vst v2;
	v2 =	vor.u32 v0, v3;
	v3 =	vshll.u32 v58, $0x1  }
0x8a: {  	[tilespmem:$0xA190] =	vst v2;
	v2 =	vor.u32 v0, v3;
	v3 =	vshll.u32 v59, $0x1  }
0x8b: {  	[tilespmem:$0xA1A0] =	vst v2;
	v2 =	vor.u32 v0, v3;
	v3 =	vshll.u32 v60, $0x1  }
0x8c: {  	[tilespmem:$0xA1B0] =	vst v2;
	v2 =	vor.u32 v0, v3;
	v3 =	vshll.u32 v61, $0x1  }
0x8d: {  	[tilespmem:$0xA1C0] =	vst v2;
	v2 =	vor.u32 v0, v3;
	v3 =	vshll.u32 v62, $0x1  }
0x8e: {  	[tilespmem:$0xA1D0] =	vst v2;
	v2 =	vor.u32 v0, v3;
	v3 =	vshll.u32 v63, $0x1  }
0x8f: {  	[tilespmem:$0xA1E0] =	vst v2;
	v2 =	vor.u32 v0, v3  }
0x90: {  	s17 =	simm.s32 $0x0;
	[tilespmem:$0xA1F0] =	vst v2  }
0x91: {  	[tilespmem:s26], [sflag:$0x4] =	stream.indirect.gather [hbm4b:s1+s19], $0x40, s25, s19, $0xb8;
	[tilespmem:$0x1C040] =	vst v63  }
.LBB2_4:
0x92: {  	_ =	swait.ge [sflag:s28], $0x2000  }
0x93: {  	s4 =	sshra.s32 s17, $0x2;
	p1 =	seq.s32 s17, $0x13800;
	[sflag:s28] =	ssyncset.done $0x0  }
.Ltmp3:
0x94: {  	s3 =	sadd.s32 $0x5000, s4;
	[sflag:s28] =	ssyncadd.s32 $0xFFFFE000;
	(pc) =	sbr.rel @!p1 .LBB2_5-.Ltmp3, $4  }
0x95: {  	[spmem:s2] =	stream.indirect.scatter.add.f32 [tilespmem:s18], [sflag:$0x5], $0x40, s3, s19, $0xb8;
	[tilespmem:$0x1C040] =	vst v63  }
0x96: {  	_ =	swait.ge [sflag:s16], $0x2000  }
0x97: {  	[sflag:s16] =	ssyncset.done $0x0  }
0x98: {  	s3 =	sadd.s32 $0x5080, s4;
	[sflag:s16] =	ssyncadd.s32 $0xFFFFE000  }
0x99: {  	_ =	swait.ge [sflag:s29], $0x2000  }
0x9a: {  	[sflag:s29] =	ssyncset.done $0x0  }
.Ltmp4:
0x9b: {  	[sflag:s29] =	ssyncadd.s32 $0xFFFFE000;
	(pc) =	sbr.rel .LBB2_7-.Ltmp4, $4  }
0x9c: {  	[spmem:s2] =	stream.indirect.scatter.add.f32 [tilespmem:s22], [sflag:$0x5], $0x40, s3, s19, $0xb8;
	[tilespmem:$0x1C040] =	vst v63  }
0x9d: {  	_ =	swait.ge [sflag:s16], $0x2000  }
0x9e: {  	[sflag:s16] =	ssyncset.done $0x0  }
0x9f: {  	[sflag:s16] =	ssyncadd.s32 $0xFFFFE000  }
.LBB2_5:
0xa0: {  	v2 =	vld [tilespmem:s4+$0x200];
	_ =	sdelay $0x4  }
0xa1: {  	v2 =	vshll.u32 v2, $0x1  }
0xa2: {  	v2 =	vor.u32 v0, v2  }
0xa3: {  	[tilespmem:$0xA000] =	vst v2  }
0xa4: {  	v2 =	vld [tilespmem:s4+$0x210];
	_ =	sdelay $0x4  }
0xa5: {  	v2 =	vshll.u32 v2, $0x1  }
0xa6: {  	v2 =	vor.u32 v0, v2  }
0xa7: {  	[tilespmem:$0xA010] =	vst v2  }
0xa8: {  	v2 =	vld [tilespmem:s4+$0x220];
	_ =	sdelay $0x4  }
0xa9: {  	v2 =	vshll.u32 v2, $0x1  }
0xaa: {  	v2 =	vor.u32 v0, v2  }
0xab: {  	[tilespmem:$0xA020] =	vst v2  }
0xac: {  	v2 =	vld [tilespmem:s4+$0x230];
	_ =	sdelay $0x4  }
0xad: {  	v2 =	vshll.u32 v2, $0x1  }
0xae: {  	v2 =	vor.u32 v0, v2  }
0xaf: {  	[tilespmem:$0xA030] =	vst v2  }
0xb0: {  	v2 =	vld [tilespmem:s4+$0x240];
	_ =	sdelay $0x4  }
0xb1: {  	v2 =	vshll.u32 v2, $0x1  }
0xb2: {  	v2 =	vor.u32 v0, v2  }
0xb3: {  	[tilespmem:$0xA040] =	vst v2  }
0xb4: {  	v2 =	vld [tilespmem:s4+$0x250];
	_ =	sdelay $0x4  }
0xb5: {  	v2 =	vshll.u32 v2, $0x1  }
0xb6: {  	v2 =	vor.u32 v0, v2  }
0xb7: {  	[tilespmem:$0xA050] =	vst v2  }
0xb8: {  	v2 =	vld [tilespmem:s4+$0x260];
	_ =	sdelay $0x4  }
0xb9: {  	v2 =	vshll.u32 v2, $0x1  }
0xba: {  	v2 =	vor.u32 v0, v2  }
0xbb: {  	[tilespmem:$0xA060] =	vst v2  }
0xbc: {  	v2 =	vld [tilespmem:s4+$0x270];
	_ =	sdelay $0x4  }
0xbd: {  	v2 =	vshll.u32 v2, $0x1  }
0xbe: {  	v2 =	vor.u32 v0, v2  }
0xbf: {  	[tilespmem:$0xA070] =	vst v2  }
0xc0: {  	[tilespmem:s18], [sflag:$0x1] =	stream.indirect.gather [hbm4b:s1+s19], $0x40, s20, s19, $0xb8;
	[tilespmem:$0x1C040] =	vst v63  }
0xc1: {  	_ =	swait.ge [sflag:s29], $0x2000  }
0xc2: {  	[sflag:s29] =	ssyncset.done $0x0  }
0xc3: {  	[sflag:s29] =	ssyncadd.s32 $0xFFFFE000  }
0xc4: {  	[spmem:s2] =	stream.indirect.scatter.add.f32 [tilespmem:s22], [sflag:$0x5], $0x40, s3, s19, $0xb8;
	[tilespmem:$0x1C040] =	vst v63  }
0xc5: {  	_ =	swait.ge [sflag:s16], $0x2000  }
0xc6: {  	[sflag:s16] =	ssyncset.done $0x0  }
0xc7: {  	[sflag:s16] =	ssyncadd.s32 $0xFFFFE000  }
0xc8: {  	v2 =	vld [tilespmem:s4+$0x280];
	_ =	sdelay $0x4  }
0xc9: {  	v2 =	vshll.u32 v2, $0x1  }
0xca: {  	v2 =	vor.u32 v0, v2  }
0xcb: {  	[tilespmem:$0xA080] =	vst v2  }
0xcc: {  	v2 =	vld [tilespmem:s4+$0x290];
	_ =	sdelay $0x4  }
0xcd: {  	v2 =	vshll.u32 v2, $0x1  }
0xce: {  	v2 =	vor.u32 v0, v2  }
0xcf: {  	[tilespmem:$0xA090] =	vst v2  }
0xd0: {  	v2 =	vld [tilespmem:s4+$0x2A0];
	_ =	sdelay $0x4  }
0xd1: {  	v2 =	vshll.u32 v2, $0x1  }
0xd2: {  	v2 =	vor.u32 v0, v2  }
0xd3: {  	[tilespmem:$0xA0A0] =	vst v2  }
0xd4: {  	v2 =	vld [tilespmem:s4+$0x2B0];
	_ =	sdelay $0x4  }
0xd5: {  	v2 =	vshll.u32 v2, $0x1  }
0xd6: {  	v2 =	vor.u32 v0, v2  }
0xd7: {  	[tilespmem:$0xA0B0] =	vst v2  }
0xd8: {  	v2 =	vld [tilespmem:s4+$0x2C0];
	_ =	sdelay $0x4  }
0xd9: {  	v2 =	vshll.u32 v2, $0x1  }
0xda: {  	v2 =	vor.u32 v0, v2  }
0xdb: {  	[tilespmem:$0xA0C0] =	vst v2  }
0xdc: {  	v2 =	vld [tilespmem:s4+$0x2D0];
	_ =	sdelay $0x4  }
0xdd: {  	v2 =	vshll.u32 v2, $0x1  }
0xde: {  	v2 =	vor.u32 v0, v2  }
0xdf: {  	[tilespmem:$0xA0D0] =	vst v2  }
0xe0: {  	v2 =	vld [tilespmem:s4+$0x2E0];
	_ =	sdelay $0x4  }
0xe1: {  	v2 =	vshll.u32 v2, $0x1  }
0xe2: {  	v2 =	vor.u32 v0, v2  }
0xe3: {  	[tilespmem:$0xA0E0] =	vst v2  }
0xe4: {  	v2 =	vld [tilespmem:s4+$0x2F0];
	_ =	sdelay $0x4  }
0xe5: {  	v2 =	vshll.u32 v2, $0x1  }
0xe6: {  	v2 =	vor.u32 v0, v2  }
0xe7: {  	[tilespmem:$0xA0F0] =	vst v2  }
0xe8: {  	[tilespmem:s22], [sflag:$0x2] =	stream.indirect.gather [hbm4b:s1+s19], $0x40, s21, s19, $0xb8;
	[tilespmem:$0x1C040] =	vst v63  }
.LBB2_7:
0xe9: {  	_ =	swait.ge [sflag:s30], $0x2000  }
0xea: {  	[sflag:s30] =	ssyncset.done $0x0  }
.Ltmp5:
0xeb: {  	s3 =	sadd.s32 $0x5100, s4;
	[sflag:s30] =	ssyncadd.s32 $0xFFFFE000;
	(pc) =	sbr.rel @p1 .LBB2_9-.Ltmp5, $4  }
0xec: {  	[spmem:s2] =	stream.indirect.scatter.add.f32 [tilespmem:s24], [sflag:$0x5], $0x40, s3, s19, $0xb8;
	[tilespmem:$0x1C040] =	vst v63  }
0xed: {  	_ =	swait.ge [sflag:s16], $0x2000  }
0xee: {  	[sflag:s16] =	ssyncset.done $0x0  }
0xef: {  	s3 =	sadd.s32 $0x5180, s4;
	[sflag:s16] =	ssyncadd.s32 $0xFFFFE000  }
0xf0: {  	v2 =	vld [tilespmem:s4+$0x300];
	_ =	sdelay $0x4  }
0xf1: {  	v2 =	vshll.u32 v2, $0x1  }
0xf2: {  	v2 =	vor.u32 v0, v2  }
0xf3: {  	[tilespmem:$0xA100] =	vst v2  }
0xf4: {  	v2 =	vld [tilespmem:s4+$0x310];
	_ =	sdelay $0x4  }
0xf5: {  	v2 =	vshll.u32 v2, $0x1  }
0xf6: {  	v2 =	vor.u32 v0, v2  }
0xf7: {  	[tilespmem:$0xA110] =	vst v2  }
0xf8: {  	v2 =	vld [tilespmem:s4+$0x320];
	_ =	sdelay $0x4  }
0xf9: {  	v2 =	vshll.u32 v2, $0x1  }
0xfa: {  	v2 =	vor.u32 v0, v2  }
0xfb: {  	[tilespmem:$0xA120] =	vst v2  }
0xfc: {  	v2 =	vld [tilespmem:s4+$0x330];
	_ =	sdelay $0x4  }
0xfd: {  	v2 =	vshll.u32 v2, $0x1  }
0xfe: {  	v2 =	vor.u32 v0, v2  }
0xff: {  	[tilespmem:$0xA130] =	vst v2  }
0x100: {  	v2 =	vld [tilespmem:s4+$0x340];
	_ =	sdelay $0x4  }
0x101: {  	v2 =	vshll.u32 v2, $0x1  }
0x102: {  	v2 =	vor.u32 v0, v2  }
0x103: {  	[tilespmem:$0xA140] =	vst v2  }
0x104: {  	v2 =	vld [tilespmem:s4+$0x350];
	_ =	sdelay $0x4  }
0x105: {  	v2 =	vshll.u32 v2, $0x1  }
0x106: {  	v2 =	vor.u32 v0, v2  }
0x107: {  	[tilespmem:$0xA150] =	vst v2  }
0x108: {  	v2 =	vld [tilespmem:s4+$0x360];
	_ =	sdelay $0x4  }
0x109: {  	v2 =	vshll.u32 v2, $0x1  }
0x10a: {  	v2 =	vor.u32 v0, v2  }
0x10b: {  	[tilespmem:$0xA160] =	vst v2  }
0x10c: {  	v2 =	vld [tilespmem:s4+$0x370];
	_ =	sdelay $0x4  }
0x10d: {  	v2 =	vshll.u32 v2, $0x1  }
0x10e: {  	v2 =	vor.u32 v0, v2  }
0x10f: {  	[tilespmem:$0xA170] =	vst v2  }
0x110: {  	[tilespmem:s24], [sflag:$0x3] =	stream.indirect.gather [hbm4b:s1+s19], $0x40, s23, s19, $0xb8;
	[tilespmem:$0x1C040] =	vst v63  }
0x111: {  	_ =	swait.ge [sflag:s31], $0x2000  }
0x112: {  	[sflag:s31] =	ssyncset.done $0x0  }
0x113: {  	[sflag:s31] =	ssyncadd.s32 $0xFFFFE000  }
0x114: {  	[spmem:s2] =	stream.indirect.scatter.add.f32 [tilespmem:s26], [sflag:$0x5], $0x40, s3, s19, $0xb8;
	[tilespmem:$0x1C040] =	vst v63  }
0x115: {  	_ =	swait.ge [sflag:s16], $0x2000  }
0x116: {  	[sflag:s16] =	ssyncset.done $0x0  }
0x117: {  	[sflag:s16] =	ssyncadd.s32 $0xFFFFE000  }
0x118: {  	v2 =	vld [tilespmem:s4+$0x380];
	_ =	sdelay $0x4  }
0x119: {  	v2 =	vshll.u32 v2, $0x1  }
0x11a: {  	v2 =	vor.u32 v0, v2  }
0x11b: {  	[tilespmem:$0xA180] =	vst v2  }
0x11c: {  	v2 =	vld [tilespmem:s4+$0x390];
	_ =	sdelay $0x4  }
0x11d: {  	v2 =	vshll.u32 v2, $0x1  }
0x11e: {  	v2 =	vor.u32 v0, v2  }
0x11f: {  	[tilespmem:$0xA190] =	vst v2  }
0x120: {  	v2 =	vld [tilespmem:s4+$0x3A0];
	_ =	sdelay $0x4  }
0x121: {  	v2 =	vshll.u32 v2, $0x1  }
0x122: {  	v2 =	vor.u32 v0, v2  }
0x123: {  	[tilespmem:$0xA1A0] =	vst v2  }
0x124: {  	v2 =	vld [tilespmem:s4+$0x3B0];
	_ =	sdelay $0x4  }
0x125: {  	v2 =	vshll.u32 v2, $0x1  }
0x126: {  	v2 =	vor.u32 v0, v2  }
0x127: {  	[tilespmem:$0xA1B0] =	vst v2  }
0x128: {  	v2 =	vld [tilespmem:s4+$0x3C0];
	_ =	sdelay $0x4  }
0x129: {  	v2 =	vshll.u32 v2, $0x1  }
0x12a: {  	v2 =	vor.u32 v0, v2  }
0x12b: {  	[tilespmem:$0xA1C0] =	vst v2  }
0x12c: {  	v2 =	vld [tilespmem:s4+$0x3D0];
	_ =	sdelay $0x4  }
0x12d: {  	v2 =	vshll.u32 v2, $0x1  }
0x12e: {  	v2 =	vor.u32 v0, v2  }
0x12f: {  	[tilespmem:$0xA1D0] =	vst v2  }
0x130: {  	v2 =	vld [tilespmem:s4+$0x3E0];
	_ =	sdelay $0x4  }
0x131: {  	v2 =	vshll.u32 v2, $0x1  }
0x132: {  	v2 =	vor.u32 v0, v2  }
0x133: {  	[tilespmem:$0xA1E0] =	vst v2  }
0x134: {  	v2 =	vld [tilespmem:s4+$0x3F0];
	_ =	sdelay $0x3  }
.Ltmp6:
0x135: {  	_ = 	snop;
	(pc) =	sbr.rel .LBB2_4-.Ltmp6, $4  }
0x136: {  	v2 =	vshll.u32 v2, $0x1  }
0x137: {  	v2 =	vor.u32 v0, v2  }
0x138: {  	s17 =	sadd.s32 $0x800, s17;
	[tilespmem:$0xA1F0] =	vst v2  }
0x139: {  	[tilespmem:s26], [sflag:$0x4] =	stream.indirect.gather [hbm4b:s1+s19], $0x40, s25, s19, $0xb8;
	[tilespmem:$0x1C040] =	vst v63  }
.LBB2_10:
0x13a: {  	_ =	sfence.sel $0x180000  }
0x13b: {  	[bflag:$0x0] =	sbarrier.arrive $0xFFFF  }
0x13c: {  	_ =	strace $0x90000047  }
0x13d: {  	[bflag:$0x2] =	sbarrier.arrive $0xFFFF  }
0x13e: {  	s0 =	rddreg [dreg:$0x3]  }
0x13f: {  	s0 =	sadd.s32 @!p0 $0x100000, s0  }
0x140: {  	[sflag:s0] =	ssyncadd.tile.s32 @!p0 $0x1;
	_ =	shalt  }
.Lfunc_end2:
_tile_overlayer_lowered:
.L_overlay_start_2:
0x141: {  	(tag) =	ssettag $0x2  }
0x142: {  	s0 =	rddreg [dreg:$0x0];
	s2 =	stileid.u32  }
0x143: {  	s1 =	rddreg [dreg:$0x1];
	p0 =	sne.s32 s2, $0x0  }
0x144: {  	s3 =	rddreg [dreg:$0x2];
	[bflag:$0x3] =	sbarrier.arrive $0xFFFF;
	s2 =	simm.s32 @!p0 $0x1C05  }
0x145: {  	[timem:s3], [sflag:s2] =	dma.local @!p0 [hbm:s0], s1  }
0x146: {  	s0 =	simm.s32 @!p0 $0x5  }
0x147: {  	_ =	swait.ge @!p0 [sflag:s0], s1  }
0x148: {  	s1 =	ssub.s32 @!p0 $0x0, s1;
	[sflag:s0] =	ssyncset.done @!p0 $0x0  }
0x149: {  	[sflag:s0] =	ssyncadd.s32 @!p0 s1  }
0x14a: {  	[bflag:$0x3] =	sbarrier.arrive $0xFFFF  }
0x14b: {  	_ =	shalt  }

</sc_bundles>
